<compile_context>
chip_gen: v7x
topology: tpu7x:2x2x1
jax: 0.10.2.dev20260603
libtpu: 0.0.44.dev20260713+nightly
codegen_flags: <defaults>
</compile_context>

<pallas_src>
import jax
import jax.numpy as jnp
from jax import lax
from jax.experimental import pallas as pl
from jax.experimental.pallas import tpu as pltpu
from jax.experimental.pallas import tpu_sc as plsc

_B, _N, _E, _D, _H, _C = 40, 250, 4000, 256, 256, 10
_NP = 256
_NC, _NS = 2, 16
_NW = _NC * _NS
_L = 16


_U = 5
_SR = 64


_EP = 4096
_PAD = 1 << 20
_TRASH = 2 * _NP


_P2 = 2 * _NP + 1


def _adj_body(edges_hbm, out_hbm, edges_v, edges2_v, a_v, sem_e, sem_e2,
              sem_o):
    wid = lax.axis_index("s") * _NC + lax.axis_index("c")
    ones = jnp.ones((_L,), jnp.float32)
    zeros = jnp.zeros((_L,), jnp.float32)
    nrow = 2 * _EP // 128
    g2 = _NW + wid // 4
    lo = (wid % 4) * _SR

    e1 = pltpu.async_copy(edges_hbm.at[pl.ds(wid * nrow, nrow)],
                          edges_v, sem_e)
    e2 = pltpu.async_copy(edges_hbm.at[pl.ds(g2 * nrow, nrow)],
                          edges2_v, sem_e2)

    def zero_row(r, _):
        for j in range(128 // _L):
            a_v[r, pl.ds(j * _L, _L)] = zeros
        return 0

    lax.fori_loop(0, 2 * _NP, zero_row, 0)
    e1.wait()

    def step(o, _):
        for u in range(128 // _L):
            s = edges_v[o, pl.ds(u * _L, _L)]
            d = edges_v[nrow // 2 + o, pl.ds(u * _L, _L)]
            r = jnp.where(s < _NP,
                          d + jnp.left_shift(jnp.right_shift(s, 7), 8),
                          _TRASH)
            c = jnp.bitwise_and(s, 127)
            plsc.addupdate_scatter(a_v, [r, c], ones)
        return 0

    lax.fori_loop(0, nrow // 2, step, 0)
    o1 = pltpu.async_copy(a_v.at[pl.ds(0, 2 * _NP)], out_hbm.at[wid], sem_o)

    def zero_strip(r, _):
        for j in range(128 // _L):
            a_v[_P2 + r, pl.ds(j * _L, _L)] = zeros
        return 0

    lax.fori_loop(0, 2 * _SR, zero_strip, 0)
    e2.wait()

    def strip_step(o, _):
        for u in range(128 // _L):
            s = edges2_v[o, pl.ds(u * _L, _L)]
            d = edges2_v[nrow // 2 + o, pl.ds(u * _L, _L)] - lo
            half = jnp.left_shift(jnp.right_shift(s, 7), 6)
            r = jnp.where((d >= 0) & (d < _SR), _P2 + d + half, _TRASH)
            c = jnp.bitwise_and(s, 127)
            plsc.addupdate_scatter(a_v, [r, c], ones)
        return 0

    lax.fori_loop(0, nrow // 2, strip_step, 0)
    pltpu.sync_copy(a_v.at[pl.ds(_P2, _SR)], out_hbm.at[g2, pl.ds(lo, _SR)])
    pltpu.sync_copy(a_v.at[pl.ds(_P2 + _SR, _SR)],
                    out_hbm.at[g2, pl.ds(_NP + lo, _SR)])
    o1.wait()


def _build_adjacency(edges2d):
    k = pl.kernel(
        _adj_body,
        out_type=jax.ShapeDtypeStruct((_B, 2 * _NP, 128), jnp.float32),
        mesh=plsc.VectorSubcoreMesh(core_axis_name="c", subcore_axis_name="s"),
        compiler_params=pltpu.CompilerParams(needs_layout_passes=False,
                                             use_tc_tiling_on_sc=True),
        scratch_types=[
            pltpu.VMEM((2 * _EP // 128, 128), jnp.int32),
            pltpu.VMEM((2 * _EP // 128, 128), jnp.int32),
            pltpu.VMEM((_P2 + 2 * _SR, 128), jnp.float32),
            pltpu.SemaphoreType.DMA,
            pltpu.SemaphoreType.DMA,
            pltpu.SemaphoreType.DMA,
        ],
    )
    return k(edges2d)


_GPB = 8
_RPB = _GPB * _N
_NSTEP = _B // _GPB


def _h0_body(x_ref, w_ref, o_ref):
    w = w_ref[...]
    for g in range(_GPB):
        h = jnp.dot(x_ref[:, g, :], w, preferred_element_type=jnp.float32)
        o_ref[pl.ds(g * _N, _N)] = h.astype(jnp.bfloat16)


def _compute_h0(x_t, Wg1):
    return pl.pallas_call(
        _h0_body,
        grid=(_NSTEP,),
        in_specs=[
            pl.BlockSpec((_N, _GPB, _D), lambda i: (0, i, 0)),
            pl.BlockSpec((_D, _H), lambda i: (0, 0)),
        ],
        out_specs=pl.BlockSpec((_RPB, _H), lambda i: (i, 0)),
        out_shape=jax.ShapeDtypeStruct((_B * _N, _H), jnp.bfloat16),
    )(x_t, Wg1)


def _gcn_head_body(a_ref, h0_ref, wg2_ref, bg1_ref, bg2_ref,
                   wl_ref, wc_ref, bl_ref, bc_ref, o_ref, pool_s):
    f32 = jnp.float32
    bf16 = jnp.bfloat16
    step = pl.program_id(0)
    zpad = jnp.zeros((_NP - _N, _H), bf16)
    rows = lax.broadcasted_iota(jnp.int32, (_NP, _H), 0)

    for g in range(_GPB):
        a0 = a_ref[g, :_NP]
        a1 = a_ref[g, _NP:]
        adjb = jnp.concatenate([a0.astype(bf16), a1.astype(bf16)], axis=1)
        deg = (jnp.sum(a0, axis=1, keepdims=True)
               + jnp.sum(a1, axis=1, keepdims=True))
        rdeg = 1.0 / jnp.maximum(deg, 1.0)
        h0g = jnp.concatenate([h0_ref[g * _N:(g + 1) * _N], zpad], axis=0)

        agg = jnp.dot(adjb, h0g, preferred_element_type=f32)
        h = jnp.maximum(agg * rdeg + bg1_ref[...], 0.0)
        h = jnp.dot(h.astype(bf16), wg2_ref[...], preferred_element_type=f32)
        agg = jnp.dot(adjb, h.astype(bf16), preferred_element_type=f32)
        h = jnp.maximum(agg * rdeg + bg2_ref[...], 0.0)

        pooled = jnp.max(jnp.where(rows < _N, h, -1e9), axis=0, keepdims=True)
        pool_s[pl.ds(step * _GPB + g, 1)] = pooled

    @pl.when(step == _NSTEP - 1)
    def _():
        p = jnp.maximum(jnp.dot(pool_s[...], wl_ref[...],
                                preferred_element_type=f32) + bl_ref[...], 0.0)
        o_ref[...] = (jnp.dot(p, wc_ref[...], preferred_element_type=f32)
                      + bc_ref[...])


def _gcn_head(adj, h0, Wg2, bg1, bg2, Wl, Wc_pad, bl, bc_pad):
    full = lambda shape: pl.BlockSpec(shape, lambda i: (0,) * len(shape))
    return pl.pallas_call(
        _gcn_head_body,
        grid=(_NSTEP,),
        in_specs=[
            pl.BlockSpec((_GPB, 2 * _NP, 128), lambda i: (i, 0, 0)),
            pl.BlockSpec((_RPB, _H), lambda i: (i, 0)),
            full((_H, _H)),
            full((1, _H)),
            full((1, _H)),
            full((_H, 128)),
            full((128, 128)),
            full((1, 128)),
            full((1, 128)),
        ],
        out_specs=full((_B, 128)),
        out_shape=jax.ShapeDtypeStruct((_B, 128), jnp.float32),
        scratch_shapes=[pltpu.VMEM((_B, _H), jnp.float32)],
    )(adj, h0, Wg2, bg1, bg2, Wl, Wc_pad, bl, bc_pad)


def kernel(ques_features, ques_edge_list, ques_graph_mask,
           Wg1, bg1, Wg2, bg2, Wl, bl, Wc, bc):
    del ques_graph_mask
    edges2d = jnp.pad(ques_edge_list, ((0, 0), (0, 0), (0, _EP - _E)),
                      constant_values=_PAD).reshape(_B * 2 * _EP // 128, 128)
    adj = _build_adjacency(edges2d)
    h0 = _compute_h0(jnp.transpose(ques_features, (1, 0, 2)), Wg1)
    Wc_pad = jnp.pad(Wc, ((0, 0), (0, 128 - _C)))
    bc_pad = jnp.pad(bc, (0, 128 - _C)).reshape(1, 128)
    out = _gcn_head(adj, h0, Wg2, bg1.reshape(1, _H), bg2.reshape(1, _H),
                    Wl, Wc_pad, bl.reshape(1, 128), bc_pad)
    return out[:, :_C]

# --- scband reference (transcript-rebuilt; emitter-appended) ---
"""Pipeline reference for scband-graph-classifier-88313117540432 (READ-ONLY COPY).

The authoritative reference and input builder live on the scoring server;
editing this copy changes nothing except your own understanding.
"""

import jax, jax.numpy as jnp
import numpy as np

B, N, E, D, H, C = 40, 250, 4000, 256, 256, 10


def setup_inputs(seed: int = 0) -> dict:
    key = jax.random.key(seed)
    ks = jax.random.split(key, 12)
    inp = {}
    inp["ques_features"] = jax.random.normal(ks[0], (B, N, D), dtype=jnp.float32)
    inp["ques_edge_list"] = jax.random.randint(ks[1], (B, 2, E), 0, N, dtype=jnp.int32)
    inp["ques_graph_mask"] = jnp.ones((B, N), dtype=bool)
    # GraphModule (2-layer GCN) params
    inp["Wg1"] = jax.random.normal(ks[2], (D, H), dtype=jnp.float32) * (1.0 / np.sqrt(D))
    inp["bg1"] = jnp.zeros((H,), dtype=jnp.float32)
    inp["Wg2"] = jax.random.normal(ks[3], (H, H), dtype=jnp.float32) * (1.0 / np.sqrt(H))
    inp["bg2"] = jnp.zeros((H,), dtype=jnp.float32)
    # head: Linear(H,128) -> ReLU -> Dropout(eval=id) -> Linear(128,num_types)
    inp["Wl"] = jax.random.normal(ks[4], (H, 128), dtype=jnp.float32) * (1.0 / np.sqrt(H))
    inp["bl"] = jnp.zeros((128,), dtype=jnp.float32)
    inp["Wc"] = jax.random.normal(ks[5], (128, C), dtype=jnp.float32) * (1.0 / np.sqrt(128))
    inp["bc"] = jnp.zeros((C,), dtype=jnp.float32)
    return inp


def _batch_edges(ques_edge_list):
    # create_pyg_batch_object: offset each graph's node ids by i*N and concat
    offs = (jnp.arange(B, dtype=ques_edge_list.dtype) * N)[:, None, None]
    ei = jnp.transpose(ques_edge_list + offs, (1, 0, 2)).reshape(2, B * E)
    return ei[0], ei[1]


def _gcn_layer(x, src, dst, W, b):
    h = x @ W
    agg = jax.ops.segment_sum(h[src], dst, num_segments=B * N)
    deg = jax.ops.segment_sum(jnp.ones((src.shape[0],), dtype=h.dtype), dst, num_segments=B * N)
    agg = agg / jnp.clip(deg, 1.0)[:, None]
    return jax.nn.relu(agg + b)


def reference(ques_features, ques_edge_list, ques_graph_mask, Wg1, bg1, Wg2, bg2, Wl, bl, Wc, bc):
    src, dst = _batch_edges(ques_edge_list)
    x = ques_features.reshape(B * N, D)
    h = _gcn_layer(x, src, dst, Wg1, bg1)
    h = _gcn_layer(h, src, dst, Wg2, bg2)
    # split_graph_features: back to [B, N, H] with padding mask
    h = h.reshape(B, N, H)
    hm = jnp.where(ques_graph_mask[..., None], h, -1e9)
    pooled = hm.max(axis=1)
    out = jax.nn.relu(pooled @ Wl + bl)  # dropout is identity in eval
    out = out @ Wc + bc
    return out

if __name__ == "__main__":
    import jax
    _d = setup_inputs()
    print(jax.jit(kernel)(*tuple(_d.values())))

</pallas_src>

<mosaic_0001>
#map = affine_map<(d0, d1) -> (0, 0)>
#map1 = affine_map<(d0, d1) -> (0, 0, 0)>
module attributes {stable_mosaic.version = 14 : i64} {
  func.func @_adj_body(%arg0: i32, %arg1: i32, %arg2: memref<2560x128xi32, #tpu.memory_space<hbm>>, %arg3: memref<40x512x128xf32, #tpu.memory_space<hbm>>, %arg4: memref<64x128xi32, #tpu.memory_space<vmem>>, %arg5: memref<64x128xi32, #tpu.memory_space<vmem>>, %arg6: memref<641x128xf32, #tpu.memory_space<vmem>>, %arg7: memref<!tpu.dma_semaphore, #tpu.memory_space<semaphore_mem>>, %arg8: memref<!tpu.dma_semaphore, #tpu.memory_space<semaphore_mem>>, %arg9: memref<!tpu.dma_semaphore, #tpu.memory_space<semaphore_mem>>) attributes {dimension_semantics = [#tpu.dimension_semantics<core_parallel>, #tpu.dimension_semantics<subcore_parallel>], iteration_bounds = array<i64: 2, 16>, scalar_prefetch = 0 : i64, scratch_operands = 6 : i64, tpu.core_type = #tpu.core_type<sc_vector_subcore>, window_params = [{transform_indices = #map}, {transform_indices = #map1}]} {
    %mul3A = arith.constant 2 : i32
    %mul3A_0 = arith.muli %arg1, %mul3A : i32
    %add3A = arith.addi %mul3A_0, %arg0 : i32
    %broadcast_in_dim3A = arith.constant 1.000000e+00 : f32
    %broadcast_in_dim3A_1 = vector.broadcast %broadcast_in_dim3A : f32 to vector<16xf32>
    %broadcast_in_dim3A_2 = arith.constant 0.000000e+00 : f32
    %broadcast_in_dim3A_3 = vector.broadcast %broadcast_in_dim3A_2 : f32 to vector<16xf32>
    %jit3A = arith.constant 4 : i32
    %div3A = arith.divsi %add3A, %jit3A : i32
    %sign3A = arith.constant 0 : i32
    %sign3A_4 = arith.cmpi sgt, %add3A, %sign3A : i32
    %sign3A_5 = arith.extui %sign3A_4 : i1 to i32
    %sign3A_6 = arith.constant 0 : i32
    %sign3A_7 = arith.cmpi slt, %add3A, %sign3A_6 : i32
    %sign3A_8 = arith.extui %sign3A_7 : i1 to i32
    %sign3A_9 = arith.subi %sign3A_5, %sign3A_8 : i32
    %sign3A_10 = arith.constant 0 : i32
    %sign3A_11 = arith.cmpi sgt, %jit3A, %sign3A_10 : i32
    %sign3A_12 = arith.extui %sign3A_11 : i1 to i32
    %sign3A_13 = arith.constant 0 : i32
    %sign3A_14 = arith.cmpi slt, %jit3A, %sign3A_13 : i32
    %sign3A_15 = arith.extui %sign3A_14 : i1 to i32
    %sign3A_16 = arith.subi %sign3A_12, %sign3A_15 : i32
    %ne3A = arith.cmpi ne, %sign3A_9, %sign3A_16 : i32
    %rem3A = arith.remsi %add3A, %jit3A : i32
    %ne3A_17 = arith.constant 0 : i32
    %ne3A_18 = arith.cmpi ne, %rem3A, %ne3A_17 : i32
    %and3A = arith.andi %ne3A, %ne3A_18 : i1
    %sub3A = arith.constant 1 : i32
    %sub3A_19 = arith.subi %div3A, %sub3A : i32
    %select_n3A = arith.select %and3A, %sub3A_19, %div3A : i32
    %add3A_20 = arith.constant 32 : i32
    %add3A_21 = arith.addi %add3A_20, %select_n3A : i32
    %jit3A_22 = arith.constant 4 : i32
    %eq3A = arith.constant 0 : i32
    %eq3A_23 = arith.cmpi eq, %jit3A_22, %eq3A : i32
    %jit3A_24 = arith.constant 1 : i32
    %select_n3A_25 = arith.select %eq3A_23, %jit3A_24, %jit3A_22 : i32
    %rem3A_26 = arith.remsi %add3A, %select_n3A_25 : i32
    %ne3A_27 = arith.constant 0 : i32
    %ne3A_28 = arith.cmpi ne, %rem3A_26, %ne3A_27 : i32
    %lt3A = arith.constant 0 : i32
    %lt3A_29 = arith.cmpi slt, %rem3A_26, %lt3A : i32
    %lt3A_30 = arith.constant 0 : i32
    %lt3A_31 = arith.cmpi slt, %select_n3A_25, %lt3A_30 : i32
    %ne3A_32 = arith.xori %lt3A_29, %lt3A_31 : i1
    %and3A_33 = arith.andi %ne3A_32, %ne3A_28 : i1
    %add3A_34 = arith.addi %rem3A_26, %select_n3A_25 : i32
    %select_n3A_35 = arith.select %and3A_33, %add3A_34, %rem3A_26 : i32
    %mul3A_36 = arith.constant 64 : i32
    %mul3A_37 = arith.muli %select_n3A_35, %mul3A_36 : i32
    %mul3A_38 = arith.constant 64 : i32
    %mul3A_39 = arith.muli %add3A, %mul3A_38 : i32
    %dma_start3A = arith.constant 0 : i32
    %dma_start3A_40 = tpu.memref_slice %arg2[%mul3A_39, %dma_start3A] : memref<2560x128xi32, #tpu.memory_space<hbm>> -> memref<64x128xi32, #tpu.memory_space<hbm>>
    %dma_start3A_41 = arith.constant 0 : i32
    %dma_start3A_42 = tpu.memref_slice %arg2[%mul3A_39, %dma_start3A_41] : memref<2560x128xi32, #tpu.memory_space<hbm>> -> memref<64x128xi32, #tpu.memory_space<hbm>>
    tpu.enqueue_dma source(%dma_start3A_42 : memref<64x128xi32, #tpu.memory_space<hbm>>) target(%arg4 : memref<64x128xi32, #tpu.memory_space<vmem>>) target_semaphore(%arg7 : memref<!tpu.dma_semaphore, #tpu.memory_space<semaphore_mem>>)
    %mul3A_43 = arith.constant 64 : i32
    %mul3A_44 = arith.muli %add3A_21, %mul3A_43 : i32
    %dma_start3A_45 = arith.constant 0 : i32
    %dma_start3A_46 = tpu.memref_slice %arg2[%mul3A_44, %dma_start3A_45] : memref<2560x128xi32, #tpu.memory_space<hbm>> -> memref<64x128xi32, #tpu.memory_space<hbm>>
    %dma_start3A_47 = arith.constant 0 : i32
    %dma_start3A_48 = tpu.memref_slice %arg2[%mul3A_44, %dma_start3A_47] : memref<2560x128xi32, #tpu.memory_space<hbm>> -> memref<64x128xi32, #tpu.memory_space<hbm>>
    tpu.enqueue_dma source(%dma_start3A_48 : memref<64x128xi32, #tpu.memory_space<hbm>>) target(%arg5 : memref<64x128xi32, #tpu.memory_space<vmem>>) target_semaphore(%arg8 : memref<!tpu.dma_semaphore, #tpu.memory_space<semaphore_mem>>)
    %scan3A = arith.constant 0 : i32
    %scan3A_49 = arith.constant 0 : i32
    %scan3A_50 = arith.constant 512 : i32
    %scan3A_51 = arith.addi %scan3A_49, %scan3A_50 : i32
    %scan3A_52 = arith.constant 1 : i32
    %scan3A_53 = scf.for %scan3A_113 = %scan3A_49 to %scan3A_51 step %scan3A_52 iter_args(%scan3A_114 = %scan3A) -> (i32)  : i32 {
      %swap3A = arith.index_cast %scan3A_113 : i32 to index
      %swap3A_115 = arith.constant 0 : index
      %swap3A_116 = tpu.vector_load %arg6[%swap3A, %swap3A_115] {strides = array<i32>} : memref<641x128xf32, #tpu.memory_space<vmem>>, vector<16xf32>,
      tpu.vector_store %arg6[%swap3A, %swap3A_115], %broadcast_in_dim3A_3 {strides = array<i32>} : memref<641x128xf32, #tpu.memory_space<vmem>>, vector<16xf32>,
      %swap3A_117 = arith.index_cast %scan3A_113 : i32 to index
      %swap3A_118 = arith.constant 16 : index
      %swap3A_119 = tpu.vector_load %arg6[%swap3A_117, %swap3A_118] {strides = array<i32>} : memref<641x128xf32, #tpu.memory_space<vmem>>, vector<16xf32>,
      tpu.vector_store %arg6[%swap3A_117, %swap3A_118], %broadcast_in_dim3A_3 {strides = array<i32>} : memref<641x128xf32, #tpu.memory_space<vmem>>, vector<16xf32>,
      %swap3A_120 = arith.index_cast %scan3A_113 : i32 to index
      %swap3A_121 = arith.constant 32 : index
      %swap3A_122 = tpu.vector_load %arg6[%swap3A_120, %swap3A_121] {strides = array<i32>} : memref<641x128xf32, #tpu.memory_space<vmem>>, vector<16xf32>,
      tpu.vector_store %arg6[%swap3A_120, %swap3A_121], %broadcast_in_dim3A_3 {strides = array<i32>} : memref<641x128xf32, #tpu.memory_space<vmem>>, vector<16xf32>,
      %swap3A_123 = arith.index_cast %scan3A_113 : i32 to index
      %swap3A_124 = arith.constant 48 : index
      %swap3A_125 = tpu.vector_load %arg6[%swap3A_123, %swap3A_124] {strides = array<i32>} : memref<641x128xf32, #tpu.memory_space<vmem>>, vector<16xf32>,
      tpu.vector_store %arg6[%swap3A_123, %swap3A_124], %broadcast_in_dim3A_3 {strides = array<i32>} : memref<641x128xf32, #tpu.memory_space<vmem>>, vector<16xf32>,
      %swap3A_126 = arith.index_cast %scan3A_113 : i32 to index
      %swap3A_127 = arith.constant 64 : index
      %swap3A_128 = tpu.vector_load %arg6[%swap3A_126, %swap3A_127] {strides = array<i32>} : memref<641x128xf32, #tpu.memory_space<vmem>>, vector<16xf32>,
      tpu.vector_store %arg6[%swap3A_126, %swap3A_127], %broadcast_in_dim3A_3 {strides = array<i32>} : memref<641x128xf32, #tpu.memory_space<vmem>>, vector<16xf32>,
      %swap3A_129 = arith.index_cast %scan3A_113 : i32 to index
      %swap3A_130 = arith.constant 80 : index
      %swap3A_131 = tpu.vector_load %arg6[%swap3A_129, %swap3A_130] {strides = array<i32>} : memref<641x128xf32, #tpu.memory_space<vmem>>, vector<16xf32>,
      tpu.vector_store %arg6[%swap3A_129, %swap3A_130], %broadcast_in_dim3A_3 {strides = array<i32>} : memref<641x128xf32, #tpu.memory_space<vmem>>, vector<16xf32>,
      %swap3A_132 = arith.index_cast %scan3A_113 : i32 to index
      %swap3A_133 = arith.constant 96 : index
      %swap3A_134 = tpu.vector_load %arg6[%swap3A_132, %swap3A_133] {strides = array<i32>} : memref<641x128xf32, #tpu.memory_space<vmem>>, vector<16xf32>,
      tpu.vector_store %arg6[%swap3A_132, %swap3A_133], %broadcast_in_dim3A_3 {strides = array<i32>} : memref<641x128xf32, #tpu.memory_space<vmem>>, vector<16xf32>,
      %swap3A_135 = arith.index_cast %scan3A_113 : i32 to index
      %swap3A_136 = arith.constant 112 : index
      %swap3A_137 = tpu.vector_load %arg6[%swap3A_135, %swap3A_136] {strides = array<i32>} : memref<641x128xf32, #tpu.memory_space<vmem>>, vector<16xf32>,
      tpu.vector_store %arg6[%swap3A_135, %swap3A_136], %broadcast_in_dim3A_3 {strides = array<i32>} : memref<641x128xf32, #tpu.memory_space<vmem>>, vector<16xf32>,
      %scan3A_138 = arith.constant 0 : i32
      scf.yield %scan3A_138 : i32
    }
    %scan3A_54 = arith.constant 512 : i32
    %dma_wait3A = arith.constant 0 : i32
    %dma_wait3A_55 = tpu.memref_slice %arg2[%mul3A_39, %dma_wait3A] : memref<2560x128xi32, #tpu.memory_space<hbm>> -> memref<64x128xi32, #tpu.memory_space<hbm>>
    %dma_wait3A_56 = arith.constant 0 : i32
    %dma_wait3A_57 = tpu.memref_slice %arg2[%mul3A_39, %dma_wait3A_56] : memref<2560x128xi32, #tpu.memory_space<hbm>> -> memref<64x128xi32, #tpu.memory_space<hbm>>
    tpu.wait_dma2 semaphore(%arg7 : memref<!tpu.dma_semaphore, #tpu.memory_space<semaphore_mem>>) src(%dma_wait3A_57 : memref<64x128xi32, #tpu.memory_space<hbm>>) dst(%arg4 : memref<64x128xi32, #tpu.memory_space<vmem>>)
    %scan3A_58 = arith.constant 0 : i32
    %scan3A_59 = arith.constant 0 : i32
    %scan3A_60 = arith.constant 32 : i32
    %scan3A_61 = arith.addi %scan3A_59, %scan3A_60 : i32
    %scan3A_62 = arith.constant 1 : i32
    %scan3A_63 = scf.for %scan3A_113 = %scan3A_59 to %scan3A_61 step %scan3A_62 iter_args(%scan3A_114 = %scan3A_58) -> (i32)  : i32 {
      %get3A = arith.index_cast %scan3A_113 : i32 to index
      %get3A_115 = arith.constant 0 : index
      %get3A_116 = tpu.vector_load %arg4[%get3A, %get3A_115] {strides = array<i32>} : memref<64x128xi32, #tpu.memory_space<vmem>>, vector<16xi32>,
      %add3A_117 = arith.constant 32 : i32
      %add3A_118 = arith.addi %add3A_117, %scan3A_113 : i32
      %get3A_119 = arith.index_cast %add3A_118 : i32 to index
      %get3A_120 = arith.constant 0 : index
      %get3A_121 = tpu.vector_load %arg4[%get3A_119, %get3A_120] {strides = array<i32>} : memref<64x128xi32, #tpu.memory_space<vmem>>, vector<16xi32>,
      %lt3A_122 = arith.constant 256 : i32
      %lt3A_123 = vector.broadcast %lt3A_122 : i32 to vector<16xi32>
      %lt3A_124 = arith.cmpi slt, %get3A_116, %lt3A_123 : vector<16xi32>
      %shift_right_arithmetic3A = arith.constant 7 : i32
      %shift_right_arithmetic3A_125 = vector.broadcast %shift_right_arithmetic3A : i32 to vector<16xi32>
      %shift_right_arithmetic3A_126 = arith.shrsi %get3A_116, %shift_right_arithmetic3A_125 : vector<16xi32>
      %shift_left3A = arith.constant 8 : i32
      %shift_left3A_127 = vector.broadcast %shift_left3A : i32 to vector<16xi32>
      %shift_left3A_128 = arith.shli %shift_right_arithmetic3A_126, %shift_left3A_127 : vector<16xi32>
      %add3A_129 = arith.addi %get3A_121, %shift_left3A_128 : vector<16xi32>
      %jit3A_130 = arith.constant 512 : i32
      %broadcast_in_dim3A_131 = vector.broadcast %jit3A_130 : i32 to vector<16xi32>
      %select_n3A_132 = arith.select %lt3A_124, %add3A_129, %broadcast_in_dim3A_131 : vector<16xi1>, vector<16xi32>
      %and3A_133 = arith.constant 127 : i32
      %and3A_134 = vector.broadcast %and3A_133 : i32 to vector<16xi32>
      %and3A_135 = arith.andi %get3A_116, %and3A_134 : vector<16xi32>
      tpu.vector_store_idx %arg6[%select_n3A_132, %and3A_135], %broadcast_in_dim3A_1 {add = true} : memref<641x128xf32, #tpu.memory_space<vmem>>[vector<16xi32>, vector<16xi32>], vector<16xf32>,
      %get3A_136 = arith.index_cast %scan3A_113 : i32 to index
      %get3A_137 = arith.constant 16 : index
      %get3A_138 = tpu.vector_load %arg4[%get3A_136, %get3A_137] {strides = array<i32>} : memref<64x128xi32, #tpu.memory_space<vmem>>, vector<16xi32>,
      %add3A_139 = arith.constant 32 : i32
      %add3A_140 = arith.addi %add3A_139, %scan3A_113 : i32
      %get3A_141 = arith.index_cast %add3A_140 : i32 to index
      %get3A_142 = arith.constant 16 : index
      %get3A_143 = tpu.vector_load %arg4[%get3A_141, %get3A_142] {strides = array<i32>} : memref<64x128xi32, #tpu.memory_space<vmem>>, vector<16xi32>,
      %lt3A_144 = arith.constant 256 : i32
      %lt3A_145 = vector.broadcast %lt3A_144 : i32 to vector<16xi32>
      %lt3A_146 = arith.cmpi slt, %get3A_138, %lt3A_145 : vector<16xi32>
      %shift_right_arithmetic3A_147 = arith.constant 7 : i32
      %shift_right_arithmetic3A_148 = vector.broadcast %shift_right_arithmetic3A_147 : i32 to vector<16xi32>
      %shift_right_arithmetic3A_149 = arith.shrsi %get3A_138, %shift_right_arithmetic3A_148 : vector<16xi32>
      %shift_left3A_150 = arith.constant 8 : i32
      %shift_left3A_151 = vector.broadcast %shift_left3A_150 : i32 to vector<16xi32>
      %shift_left3A_152 = arith.shli %shift_right_arithmetic3A_149, %shift_left3A_151 : vector<16xi32>
      %add3A_153 = arith.addi %get3A_143, %shift_left3A_152 : vector<16xi32>
      %jit3A_154 = arith.constant 512 : i32
      %broadcast_in_dim3A_155 = vector.broadcast %jit3A_154 : i32 to vector<16xi32>
      %select_n3A_156 = arith.select %lt3A_146, %add3A_153, %broadcast_in_dim3A_155 : vector<16xi1>, vector<16xi32>
      %and3A_157 = arith.constant 127 : i32
      %and3A_158 = vector.broadcast %and3A_157 : i32 to vector<16xi32>
      %and3A_159 = arith.andi %get3A_138, %and3A_158 : vector<16xi32>
      tpu.vector_store_idx %arg6[%select_n3A_156, %and3A_159], %broadcast_in_dim3A_1 {add = true} : memref<641x128xf32, #tpu.memory_space<vmem>>[vector<16xi32>, vector<16xi32>], vector<16xf32>,
      %get3A_160 = arith.index_cast %scan3A_113 : i32 to index
      %get3A_161 = arith.constant 32 : index
      %get3A_162 = tpu.vector_load %arg4[%get3A_160, %get3A_161] {strides = array<i32>} : memref<64x128xi32, #tpu.memory_space<vmem>>, vector<16xi32>,
      %add3A_163 = arith.constant 32 : i32
      %add3A_164 = arith.addi %add3A_163, %scan3A_113 : i32
      %get3A_165 = arith.index_cast %add3A_164 : i32 to index
      %get3A_166 = arith.constant 32 : index
      %get3A_167 = tpu.vector_load %arg4[%get3A_165, %get3A_166] {strides = array<i32>} : memref<64x128xi32, #tpu.memory_space<vmem>>, vector<16xi32>,
      %lt3A_168 = arith.constant 256 : i32
      %lt3A_169 = vector.broadcast %lt3A_168 : i32 to vector<16xi32>
      %lt3A_170 = arith.cmpi slt, %get3A_162, %lt3A_169 : vector<16xi32>
      %shift_right_arithmetic3A_171 = arith.constant 7 : i32
      %shift_right_arithmetic3A_172 = vector.broadcast %shift_right_arithmetic3A_171 : i32 to vector<16xi32>
      %shift_right_arithmetic3A_173 = arith.shrsi %get3A_162, %shift_right_arithmetic3A_172 : vector<16xi32>
      %shift_left3A_174 = arith.constant 8 : i32
      %shift_left3A_175 = vector.broadcast %shift_left3A_174 : i32 to vector<16xi32>
      %shift_left3A_176 = arith.shli %shift_right_arithmetic3A_173, %shift_left3A_175 : vector<16xi32>
      %add3A_177 = arith.addi %get3A_167, %shift_left3A_176 : vector<16xi32>
      %jit3A_178 = arith.constant 512 : i32
      %broadcast_in_dim3A_179 = vector.broadcast %jit3A_178 : i32 to vector<16xi32>
      %select_n3A_180 = arith.select %lt3A_170, %add3A_177, %broadcast_in_dim3A_179 : vector<16xi1>, vector<16xi32>
      %and3A_181 = arith.constant 127 : i32
      %and3A_182 = vector.broadcast %and3A_181 : i32 to vector<16xi32>
      %and3A_183 = arith.andi %get3A_162, %and3A_182 : vector<16xi32>
      tpu.vector_store_idx %arg6[%select_n3A_180, %and3A_183], %broadcast_in_dim3A_1 {add = true} : memref<641x128xf32, #tpu.memory_space<vmem>>[vector<16xi32>, vector<16xi32>], vector<16xf32>,
      %get3A_184 = arith.index_cast %scan3A_113 : i32 to index
      %get3A_185 = arith.constant 48 : index
      %get3A_186 = tpu.vector_load %arg4[%get3A_184, %get3A_185] {strides = array<i32>} : memref<64x128xi32, #tpu.memory_space<vmem>>, vector<16xi32>,
      %add3A_187 = arith.constant 32 : i32
      %add3A_188 = arith.addi %add3A_187, %scan3A_113 : i32
      %get3A_189 = arith.index_cast %add3A_188 : i32 to index
      %get3A_190 = arith.constant 48 : index
      %get3A_191 = tpu.vector_load %arg4[%get3A_189, %get3A_190] {strides = array<i32>} : memref<64x128xi32, #tpu.memory_space<vmem>>, vector<16xi32>,
      %lt3A_192 = arith.constant 256 : i32
      %lt3A_193 = vector.broadcast %lt3A_192 : i32 to vector<16xi32>
      %lt3A_194 = arith.cmpi slt, %get3A_186, %lt3A_193 : vector<16xi32>
      %shift_right_arithmetic3A_195 = arith.constant 7 : i32
      %shift_right_arithmetic3A_196 = vector.broadcast %shift_right_arithmetic3A_195 : i32 to vector<16xi32>
      %shift_right_arithmetic3A_197 = arith.shrsi %get3A_186, %shift_right_arithmetic3A_196 : vector<16xi32>
      %shift_left3A_198 = arith.constant 8 : i32
      %shift_left3A_199 = vector.broadcast %shift_left3A_198 : i32 to vector<16xi32>
      %shift_left3A_200 = arith.shli %shift_right_arithmetic3A_197, %shift_left3A_199 : vector<16xi32>
      %add3A_201 = arith.addi %get3A_191, %shift_left3A_200 : vector<16xi32>
      %jit3A_202 = arith.constant 512 : i32
      %broadcast_in_dim3A_203 = vector.broadcast %jit3A_202 : i32 to vector<16xi32>
      %select_n3A_204 = arith.select %lt3A_194, %add3A_201, %broadcast_in_dim3A_203 : vector<16xi1>, vector<16xi32>
      %and3A_205 = arith.constant 127 : i32
      %and3A_206 = vector.broadcast %and3A_205 : i32 to vector<16xi32>
      %and3A_207 = arith.andi %get3A_186, %and3A_206 : vector<16xi32>
      tpu.vector_store_idx %arg6[%select_n3A_204, %and3A_207], %broadcast_in_dim3A_1 {add = true} : memref<641x128xf32, #tpu.memory_space<vmem>>[vector<16xi32>, vector<16xi32>], vector<16xf32>,
      %get3A_208 = arith.index_cast %scan3A_113 : i32 to index
      %get3A_209 = arith.constant 64 : index
      %get3A_210 = tpu.vector_load %arg4[%get3A_208, %get3A_209] {strides = array<i32>} : memref<64x128xi32, #tpu.memory_space<vmem>>, vector<16xi32>,
      %add3A_211 = arith.constant 32 : i32
      %add3A_212 = arith.addi %add3A_211, %scan3A_113 : i32
      %get3A_213 = arith.index_cast %add3A_212 : i32 to index
      %get3A_214 = arith.constant 64 : index
      %get3A_215 = tpu.vector_load %arg4[%get3A_213, %get3A_214] {strides = array<i32>} : memref<64x128xi32, #tpu.memory_space<vmem>>, vector<16xi32>,
      %lt3A_216 = arith.constant 256 : i32
      %lt3A_217 = vector.broadcast %lt3A_216 : i32 to vector<16xi32>
      %lt3A_218 = arith.cmpi slt, %get3A_210, %lt3A_217 : vector<16xi32>
      %shift_right_arithmetic3A_219 = arith.constant 7 : i32
      %shift_right_arithmetic3A_220 = vector.broadcast %shift_right_arithmetic3A_219 : i32 to vector<16xi32>
      %shift_right_arithmetic3A_221 = arith.shrsi %get3A_210, %shift_right_arithmetic3A_220 : vector<16xi32>
      %shift_left3A_222 = arith.constant 8 : i32
      %shift_left3A_223 = vector.broadcast %shift_left3A_222 : i32 to vector<16xi32>
      %shift_left3A_224 = arith.shli %shift_right_arithmetic3A_221, %shift_left3A_223 : vector<16xi32>
      %add3A_225 = arith.addi %get3A_215, %shift_left3A_224 : vector<16xi32>
      %jit3A_226 = arith.constant 512 : i32
      %broadcast_in_dim3A_227 = vector.broadcast %jit3A_226 : i32 to vector<16xi32>
      %select_n3A_228 = arith.select %lt3A_218, %add3A_225, %broadcast_in_dim3A_227 : vector<16xi1>, vector<16xi32>
      %and3A_229 = arith.constant 127 : i32
      %and3A_230 = vector.broadcast %and3A_229 : i32 to vector<16xi32>
      %and3A_231 = arith.andi %get3A_210, %and3A_230 : vector<16xi32>
      tpu.vector_store_idx %arg6[%select_n3A_228, %and3A_231], %broadcast_in_dim3A_1 {add = true} : memref<641x128xf32, #tpu.memory_space<vmem>>[vector<16xi32>, vector<16xi32>], vector<16xf32>,
      %get3A_232 = arith.index_cast %scan3A_113 : i32 to index
      %get3A_233 = arith.constant 80 : index
      %get3A_234 = tpu.vector_load %arg4[%get3A_232, %get3A_233] {strides = array<i32>} : memref<64x128xi32, #tpu.memory_space<vmem>>, vector<16xi32>,
      %add3A_235 = arith.constant 32 : i32
      %add3A_236 = arith.addi %add3A_235, %scan3A_113 : i32
      %get3A_237 = arith.index_cast %add3A_236 : i32 to index
      %get3A_238 = arith.constant 80 : index
      %get3A_239 = tpu.vector_load %arg4[%get3A_237, %get3A_238] {strides = array<i32>} : memref<64x128xi32, #tpu.memory_space<vmem>>, vector<16xi32>,
      %lt3A_240 = arith.constant 256 : i32
      %lt3A_241 = vector.broadcast %lt3A_240 : i32 to vector<16xi32>
      %lt3A_242 = arith.cmpi slt, %get3A_234, %lt3A_241 : vector<16xi32>
      %shift_right_arithmetic3A_243 = arith.constant 7 : i32
      %shift_right_arithmetic3A_244 = vector.broadcast %shift_right_arithmetic3A_243 : i32 to vector<16xi32>
      %shift_right_arithmetic3A_245 = arith.shrsi %get3A_234, %shift_right_arithmetic3A_244 : vector<16xi32>
      %shift_left3A_246 = arith.constant 8 : i32
      %shift_left3A_247 = vector.broadcast %shift_left3A_246 : i32 to vector<16xi32>
      %shift_left3A_248 = arith.shli %shift_right_arithmetic3A_245, %shift_left3A_247 : vector<16xi32>
      %add3A_249 = arith.addi %get3A_239, %shift_left3A_248 : vector<16xi32>
      %jit3A_250 = arith.constant 512 : i32
      %broadcast_in_dim3A_251 = vector.broadcast %jit3A_250 : i32 to vector<16xi32>
      %select_n3A_252 = arith.select %lt3A_242, %add3A_249, %broadcast_in_dim3A_251 : vector<16xi1>, vector<16xi32>
      %and3A_253 = arith.constant 127 : i32
      %and3A_254 = vector.broadcast %and3A_253 : i32 to vector<16xi32>
      %and3A_255 = arith.andi %get3A_234, %and3A_254 : vector<16xi32>
      tpu.vector_store_idx %arg6[%select_n3A_252, %and3A_255], %broadcast_in_dim3A_1 {add = true} : memref<641x128xf32, #tpu.memory_space<vmem>>[vector<16xi32>, vector<16xi32>], vector<16xf32>,
      %get3A_256 = arith.index_cast %scan3A_113 : i32 to index
      %get3A_257 = arith.constant 96 : index
      %get3A_258 = tpu.vector_load %arg4[%get3A_256, %get3A_257] {strides = array<i32>} : memref<64x128xi32, #tpu.memory_space<vmem>>, vector<16xi32>,
      %add3A_259 = arith.constant 32 : i32
      %add3A_260 = arith.addi %add3A_259, %scan3A_113 : i32
      %get3A_261 = arith.index_cast %add3A_260 : i32 to index
      %get3A_262 = arith.constant 96 : index
      %get3A_263 = tpu.vector_load %arg4[%get3A_261, %get3A_262] {strides = array<i32>} : memref<64x128xi32, #tpu.memory_space<vmem>>, vector<16xi32>,
      %lt3A_264 = arith.constant 256 : i32
      %lt3A_265 = vector.broadcast %lt3A_264 : i32 to vector<16xi32>
      %lt3A_266 = arith.cmpi slt, %get3A_258, %lt3A_265 : vector<16xi32>
      %shift_right_arithmetic3A_267 = arith.constant 7 : i32
      %shift_right_arithmetic3A_268 = vector.broadcast %shift_right_arithmetic3A_267 : i32 to vector<16xi32>
      %shift_right_arithmetic3A_269 = arith.shrsi %get3A_258, %shift_right_arithmetic3A_268 : vector<16xi32>
      %shift_left3A_270 = arith.constant 8 : i32
      %shift_left3A_271 = vector.broadcast %shift_left3A_270 : i32 to vector<16xi32>
      %shift_left3A_272 = arith.shli %shift_right_arithmetic3A_269, %shift_left3A_271 : vector<16xi32>
      %add3A_273 = arith.addi %get3A_263, %shift_left3A_272 : vector<16xi32>
      %jit3A_274 = arith.constant 512 : i32
      %broadcast_in_dim3A_275 = vector.broadcast %jit3A_274 : i32 to vector<16xi32>
      %select_n3A_276 = arith.select %lt3A_266, %add3A_273, %broadcast_in_dim3A_275 : vector<16xi1>, vector<16xi32>
      %and3A_277 = arith.constant 127 : i32
      %and3A_278 = vector.broadcast %and3A_277 : i32 to vector<16xi32>
      %and3A_279 = arith.andi %get3A_258, %and3A_278 : vector<16xi32>
      tpu.vector_store_idx %arg6[%select_n3A_276, %and3A_279], %broadcast_in_dim3A_1 {add = true} : memref<641x128xf32, #tpu.memory_space<vmem>>[vector<16xi32>, vector<16xi32>], vector<16xf32>,
      %get3A_280 = arith.index_cast %scan3A_113 : i32 to index
      %get3A_281 = arith.constant 112 : index
      %get3A_282 = tpu.vector_load %arg4[%get3A_280, %get3A_281] {strides = array<i32>} : memref<64x128xi32, #tpu.memory_space<vmem>>, vector<16xi32>,
      %add3A_283 = arith.constant 32 : i32
      %add3A_284 = arith.addi %add3A_283, %scan3A_113 : i32
      %get3A_285 = arith.index_cast %add3A_284 : i32 to index
      %get3A_286 = arith.constant 112 : index
      %get3A_287 = tpu.vector_load %arg4[%get3A_285, %get3A_286] {strides = array<i32>} : memref<64x128xi32, #tpu.memory_space<vmem>>, vector<16xi32>,
      %lt3A_288 = arith.constant 256 : i32
      %lt3A_289 = vector.broadcast %lt3A_288 : i32 to vector<16xi32>
      %lt3A_290 = arith.cmpi slt, %get3A_282, %lt3A_289 : vector<16xi32>
      %shift_right_arithmetic3A_291 = arith.constant 7 : i32
      %shift_right_arithmetic3A_292 = vector.broadcast %shift_right_arithmetic3A_291 : i32 to vector<16xi32>
      %shift_right_arithmetic3A_293 = arith.shrsi %get3A_282, %shift_right_arithmetic3A_292 : vector<16xi32>
      %shift_left3A_294 = arith.constant 8 : i32
      %shift_left3A_295 = vector.broadcast %shift_left3A_294 : i32 to vector<16xi32>
      %shift_left3A_296 = arith.shli %shift_right_arithmetic3A_293, %shift_left3A_295 : vector<16xi32>
      %add3A_297 = arith.addi %get3A_287, %shift_left3A_296 : vector<16xi32>
      %jit3A_298 = arith.constant 512 : i32
      %broadcast_in_dim3A_299 = vector.broadcast %jit3A_298 : i32 to vector<16xi32>
      %select_n3A_300 = arith.select %lt3A_290, %add3A_297, %broadcast_in_dim3A_299 : vector<16xi1>, vector<16xi32>
      %and3A_301 = arith.constant 127 : i32
      %and3A_302 = vector.broadcast %and3A_301 : i32 to vector<16xi32>
      %and3A_303 = arith.andi %get3A_282, %and3A_302 : vector<16xi32>
      tpu.vector_store_idx %arg6[%select_n3A_300, %and3A_303], %broadcast_in_dim3A_1 {add = true} : memref<641x128xf32, #tpu.memory_space<vmem>>[vector<16xi32>, vector<16xi32>], vector<16xf32>,
      %scan3A_304 = arith.constant 0 : i32
      scf.yield %scan3A_304 : i32
    }
    %scan3A_64 = arith.constant 32 : i32
    %dma_start3A_65 = arith.constant 0 : i32
    %dma_start3A_66 = arith.constant 0 : i32
    %dma_start3A_67 = tpu.memref_slice %arg6[%dma_start3A_65, %dma_start3A_66] : memref<641x128xf32, #tpu.memory_space<vmem>> -> memref<512x128xf32, #tpu.memory_space<vmem>>
    %dma_start3A_68 = arith.constant 0 : i32
    %dma_start3A_69 = arith.constant 0 : i32
    %dma_start3A_70 = tpu.memref_slice %arg3[%add3A, %dma_start3A_68, %dma_start3A_69] : memref<40x512x128xf32, #tpu.memory_space<hbm>> -> memref<1x512x128xf32, #tpu.memory_space<hbm>>
    %dma_start3A_71 = tpu.memref_squeeze %dma_start3A_70 : memref<1x512x128xf32, #tpu.memory_space<hbm>> -> memref<512x128xf32, #tpu.memory_space<hbm>>
    %dma_start3A_72 = arith.constant 0 : i32
    %dma_start3A_73 = arith.constant 0 : i32
    %dma_start3A_74 = tpu.memref_slice %arg3[%add3A, %dma_start3A_72, %dma_start3A_73] : memref<40x512x128xf32, #tpu.memory_space<hbm>> -> memref<1x512x128xf32, #tpu.memory_space<hbm>>
    %dma_start3A_75 = tpu.memref_squeeze %dma_start3A_74 : memref<1x512x128xf32, #tpu.memory_space<hbm>> -> memref<512x128xf32, #tpu.memory_space<hbm>>
    %dma_start3A_76 = arith.constant 0 : i32
    %dma_start3A_77 = arith.constant 0 : i32
    %dma_start3A_78 = tpu.memref_slice %arg6[%dma_start3A_76, %dma_start3A_77] : memref<641x128xf32, #tpu.memory_space<vmem>> -> memref<512x128xf32, #tpu.memory_space<vmem>>
    tpu.enqueue_dma source(%dma_start3A_78 : memref<512x128xf32, #tpu.memory_space<vmem>>) target(%dma_start3A_75 : memref<512x128xf32, #tpu.memory_space<hbm>>) target_semaphore(%arg9 : memref<!tpu.dma_semaphore, #tpu.memory_space<semaphore_mem>>)
    %scan3A_79 = arith.constant 0 : i32
    %scan3A_80 = arith.constant 0 : i32
    %scan3A_81 = arith.constant 128 : i32
    %scan3A_82 = arith.addi %scan3A_80, %scan3A_81 : i32
    %scan3A_83 = arith.constant 1 : i32
    %scan3A_84 = scf.for %scan3A_113 = %scan3A_80 to %scan3A_82 step %scan3A_83 iter_args(%scan3A_114 = %scan3A_79) -> (i32)  : i32 {
      %add3A_115 = arith.constant 513 : i32
      %add3A_116 = arith.addi %add3A_115, %scan3A_113 : i32
      %swap3A = arith.index_cast %add3A_116 : i32 to index
      %swap3A_117 = arith.constant 0 : index
      %swap3A_118 = tpu.vector_load %arg6[%swap3A, %swap3A_117] {strides = array<i32>} : memref<641x128xf32, #tpu.memory_space<vmem>>, vector<16xf32>,
      tpu.vector_store %arg6[%swap3A, %swap3A_117], %broadcast_in_dim3A_3 {strides = array<i32>} : memref<641x128xf32, #tpu.memory_space<vmem>>, vector<16xf32>,
      %add3A_119 = arith.constant 513 : i32
      %add3A_120 = arith.addi %add3A_119, %scan3A_113 : i32
      %swap3A_121 = arith.index_cast %add3A_120 : i32 to index
      %swap3A_122 = arith.constant 16 : index
      %swap3A_123 = tpu.vector_load %arg6[%swap3A_121, %swap3A_122] {strides = array<i32>} : memref<641x128xf32, #tpu.memory_space<vmem>>, vector<16xf32>,
      tpu.vector_store %arg6[%swap3A_121, %swap3A_122], %broadcast_in_dim3A_3 {strides = array<i32>} : memref<641x128xf32, #tpu.memory_space<vmem>>, vector<16xf32>,
      %add3A_124 = arith.constant 513 : i32
      %add3A_125 = arith.addi %add3A_124, %scan3A_113 : i32
      %swap3A_126 = arith.index_cast %add3A_125 : i32 to index
      %swap3A_127 = arith.constant 32 : index
      %swap3A_128 = tpu.vector_load %arg6[%swap3A_126, %swap3A_127] {strides = array<i32>} : memref<641x128xf32, #tpu.memory_space<vmem>>, vector<16xf32>,
      tpu.vector_store %arg6[%swap3A_126, %swap3A_127], %broadcast_in_dim3A_3 {strides = array<i32>} : memref<641x128xf32, #tpu.memory_space<vmem>>, vector<16xf32>,
      %add3A_129 = arith.constant 513 : i32
      %add3A_130 = arith.addi %add3A_129, %scan3A_113 : i32
      %swap3A_131 = arith.index_cast %add3A_130 : i32 to index
      %swap3A_132 = arith.constant 48 : index
      %swap3A_133 = tpu.vector_load %arg6[%swap3A_131, %swap3A_132] {strides = array<i32>} : memref<641x128xf32, #tpu.memory_space<vmem>>, vector<16xf32>,
      tpu.vector_store %arg6[%swap3A_131, %swap3A_132], %broadcast_in_dim3A_3 {strides = array<i32>} : memref<641x128xf32, #tpu.memory_space<vmem>>, vector<16xf32>,
      %add3A_134 = arith.constant 513 : i32
      %add3A_135 = arith.addi %add3A_134, %scan3A_113 : i32
      %swap3A_136 = arith.index_cast %add3A_135 : i32 to index
      %swap3A_137 = arith.constant 64 : index
      %swap3A_138 = tpu.vector_load %arg6[%swap3A_136, %swap3A_137] {strides = array<i32>} : memref<641x128xf32, #tpu.memory_space<vmem>>, vector<16xf32>,
      tpu.vector_store %arg6[%swap3A_136, %swap3A_137], %broadcast_in_dim3A_3 {strides = array<i32>} : memref<641x128xf32, #tpu.memory_space<vmem>>, vector<16xf32>,
      %add3A_139 = arith.constant 513 : i32
      %add3A_140 = arith.addi %add3A_139, %scan3A_113 : i32
      %swap3A_141 = arith.index_cast %add3A_140 : i32 to index
      %swap3A_142 = arith.constant 80 : index
      %swap3A_143 = tpu.vector_load %arg6[%swap3A_141, %swap3A_142] {strides = array<i32>} : memref<641x128xf32, #tpu.memory_space<vmem>>, vector<16xf32>,
      tpu.vector_store %arg6[%swap3A_141, %swap3A_142], %broadcast_in_dim3A_3 {strides = array<i32>} : memref<641x128xf32, #tpu.memory_space<vmem>>, vector<16xf32>,
      %add3A_144 = arith.constant 513 : i32
      %add3A_145 = arith.addi %add3A_144, %scan3A_113 : i32
      %swap3A_146 = arith.index_cast %add3A_145 : i32 to index
      %swap3A_147 = arith.constant 96 : index
      %swap3A_148 = tpu.vector_load %arg6[%swap3A_146, %swap3A_147] {strides = array<i32>} : memref<641x128xf32, #tpu.memory_space<vmem>>, vector<16xf32>,
      tpu.vector_store %arg6[%swap3A_146, %swap3A_147], %broadcast_in_dim3A_3 {strides = array<i32>} : memref<641x128xf32, #tpu.memory_space<vmem>>, vector<16xf32>,
      %add3A_149 = arith.constant 513 : i32
      %add3A_150 = arith.addi %add3A_149, %scan3A_113 : i32
      %swap3A_151 = arith.index_cast %add3A_150 : i32 to index
      %swap3A_152 = arith.constant 112 : index
      %swap3A_153 = tpu.vector_load %arg6[%swap3A_151, %swap3A_152] {strides = array<i32>} : memref<641x128xf32, #tpu.memory_space<vmem>>, vector<16xf32>,
      tpu.vector_store %arg6[%swap3A_151, %swap3A_152], %broadcast_in_dim3A_3 {strides = array<i32>} : memref<641x128xf32, #tpu.memory_space<vmem>>, vector<16xf32>,
      %scan3A_154 = arith.constant 0 : i32
      scf.yield %scan3A_154 : i32
    }
    %scan3A_85 = arith.constant 128 : i32
    %dma_wait3A_86 = arith.constant 0 : i32
    %dma_wait3A_87 = tpu.memref_slice %arg2[%mul3A_44, %dma_wait3A_86] : memref<2560x128xi32, #tpu.memory_space<hbm>> -> memref<64x128xi32, #tpu.memory_space<hbm>>
    %dma_wait3A_88 = arith.constant 0 : i32
    %dma_wait3A_89 = tpu.memref_slice %arg2[%mul3A_44, %dma_wait3A_88] : memref<2560x128xi32, #tpu.memory_space<hbm>> -> memref<64x128xi32, #tpu.memory_space<hbm>>
    tpu.wait_dma2 semaphore(%arg8 : memref<!tpu.dma_semaphore, #tpu.memory_space<semaphore_mem>>) src(%dma_wait3A_89 : memref<64x128xi32, #tpu.memory_space<hbm>>) dst(%arg5 : memref<64x128xi32, #tpu.memory_space<vmem>>)
    %scan3A_90 = arith.constant 0 : i32
    %scan3A_91 = arith.constant 0 : i32
    %scan3A_92 = arith.constant 32 : i32
    %scan3A_93 = arith.addi %scan3A_91, %scan3A_92 : i32
    %scan3A_94 = arith.constant 1 : i32
    %scan3A_95 = scf.for %scan3A_113 = %scan3A_91 to %scan3A_93 step %scan3A_94 iter_args(%scan3A_114 = %scan3A_90) -> (i32)  : i32 {
      %get3A = arith.index_cast %scan3A_113 : i32 to index
      %get3A_115 = arith.constant 0 : index
      %get3A_116 = tpu.vector_load %arg5[%get3A, %get3A_115] {strides = array<i32>} : memref<64x128xi32, #tpu.memory_space<vmem>>, vector<16xi32>,
      %add3A_117 = arith.constant 32 : i32
      %add3A_118 = arith.addi %add3A_117, %scan3A_113 : i32
      %get3A_119 = arith.index_cast %add3A_118 : i32 to index
      %get3A_120 = arith.constant 0 : index
      %get3A_121 = tpu.vector_load %arg5[%get3A_119, %get3A_120] {strides = array<i32>} : memref<64x128xi32, #tpu.memory_space<vmem>>, vector<16xi32>,
      %sub3A_122 = vector.broadcast %mul3A_37 : i32 to vector<16xi32>
      %sub3A_123 = arith.subi %get3A_121, %sub3A_122 : vector<16xi32>
      %shift_right_arithmetic3A = arith.constant 7 : i32
      %shift_right_arithmetic3A_124 = vector.broadcast %shift_right_arithmetic3A : i32 to vector<16xi32>
      %shift_right_arithmetic3A_125 = arith.shrsi %get3A_116, %shift_right_arithmetic3A_124 : vector<16xi32>
      %shift_left3A = arith.constant 6 : i32
      %shift_left3A_126 = vector.broadcast %shift_left3A : i32 to vector<16xi32>
      %shift_left3A_127 = arith.shli %shift_right_arithmetic3A_125, %shift_left3A_126 : vector<16xi32>
      %ge3A = arith.constant 0 : i32
      %ge3A_128 = vector.broadcast %ge3A : i32 to vector<16xi32>
      %ge3A_129 = arith.cmpi sge, %sub3A_123, %ge3A_128 : vector<16xi32>
      %lt3A_130 = arith.constant 64 : i32
      %lt3A_131 = vector.broadcast %lt3A_130 : i32 to vector<16xi32>
      %lt3A_132 = arith.cmpi slt, %sub3A_123, %lt3A_131 : vector<16xi32>
      %and3A_133 = arith.andi %ge3A_129, %lt3A_132 : vector<16xi1>
      %add3A_134 = arith.constant 513 : i32
      %add3A_135 = vector.broadcast %add3A_134 : i32 to vector<16xi32>
      %add3A_136 = arith.addi %add3A_135, %sub3A_123 : vector<16xi32>
      %add3A_137 = arith.addi %add3A_136, %shift_left3A_127 : vector<16xi32>
      %jit3A_138 = arith.constant 512 : i32
      %broadcast_in_dim3A_139 = vector.broadcast %jit3A_138 : i32 to vector<16xi32>
      %select_n3A_140 = arith.select %and3A_133, %add3A_137, %broadcast_in_dim3A_139 : vector<16xi1>, vector<16xi32>
      %and3A_141 = arith.constant 127 : i32
      %and3A_142 = vector.broadcast %and3A_141 : i32 to vector<16xi32>
      %and3A_143 = arith.andi %get3A_116, %and3A_142 : vector<16xi32>
      tpu.vector_store_idx %arg6[%select_n3A_140, %and3A_143], %broadcast_in_dim3A_1 {add = true} : memref<641x128xf32, #tpu.memory_space<vmem>>[vector<16xi32>, vector<16xi32>], vector<16xf32>,
      %get3A_144 = arith.index_cast %scan3A_113 : i32 to index
      %get3A_145 = arith.constant 16 : index
      %get3A_146 = tpu.vector_load %arg5[%get3A_144, %get3A_145] {strides = array<i32>} : memref<64x128xi32, #tpu.memory_space<vmem>>, vector<16xi32>,
      %add3A_147 = arith.constant 32 : i32
      %add3A_148 = arith.addi %add3A_147, %scan3A_113 : i32
      %get3A_149 = arith.index_cast %add3A_148 : i32 to index
      %get3A_150 = arith.constant 16 : index
      %get3A_151 = tpu.vector_load %arg5[%get3A_149, %get3A_150] {strides = array<i32>} : memref<64x128xi32, #tpu.memory_space<vmem>>, vector<16xi32>,
      %sub3A_152 = vector.broadcast %mul3A_37 : i32 to vector<16xi32>
      %sub3A_153 = arith.subi %get3A_151, %sub3A_152 : vector<16xi32>
      %shift_right_arithmetic3A_154 = arith.constant 7 : i32
      %shift_right_arithmetic3A_155 = vector.broadcast %shift_right_arithmetic3A_154 : i32 to vector<16xi32>
      %shift_right_arithmetic3A_156 = arith.shrsi %get3A_146, %shift_right_arithmetic3A_155 : vector<16xi32>
      %shift_left3A_157 = arith.constant 6 : i32
      %shift_left3A_158 = vector.broadcast %shift_left3A_157 : i32 to vector<16xi32>
      %shift_left3A_159 = arith.shli %shift_right_arithmetic3A_156, %shift_left3A_158 : vector<16xi32>
      %ge3A_160 = arith.constant 0 : i32
      %ge3A_161 = vector.broadcast %ge3A_160 : i32 to vector<16xi32>
      %ge3A_162 = arith.cmpi sge, %sub3A_153, %ge3A_161 : vector<16xi32>
      %lt3A_163 = arith.constant 64 : i32
      %lt3A_164 = vector.broadcast %lt3A_163 : i32 to vector<16xi32>
      %lt3A_165 = arith.cmpi slt, %sub3A_153, %lt3A_164 : vector<16xi32>
      %and3A_166 = arith.andi %ge3A_162, %lt3A_165 : vector<16xi1>
      %add3A_167 = arith.constant 513 : i32
      %add3A_168 = vector.broadcast %add3A_167 : i32 to vector<16xi32>
      %add3A_169 = arith.addi %add3A_168, %sub3A_153 : vector<16xi32>
      %add3A_170 = arith.addi %add3A_169, %shift_left3A_159 : vector<16xi32>
      %jit3A_171 = arith.constant 512 : i32
      %broadcast_in_dim3A_172 = vector.broadcast %jit3A_171 : i32 to vector<16xi32>
      %select_n3A_173 = arith.select %and3A_166, %add3A_170, %broadcast_in_dim3A_172 : vector<16xi1>, vector<16xi32>
      %and3A_174 = arith.constant 127 : i32
      %and3A_175 = vector.broadcast %and3A_174 : i32 to vector<16xi32>
      %and3A_176 = arith.andi %get3A_146, %and3A_175 : vector<16xi32>
      tpu.vector_store_idx %arg6[%select_n3A_173, %and3A_176], %broadcast_in_dim3A_1 {add = true} : memref<641x128xf32, #tpu.memory_space<vmem>>[vector<16xi32>, vector<16xi32>], vector<16xf32>,
      %get3A_177 = arith.index_cast %scan3A_113 : i32 to index
      %get3A_178 = arith.constant 32 : index
      %get3A_179 = tpu.vector_load %arg5[%get3A_177, %get3A_178] {strides = array<i32>} : memref<64x128xi32, #tpu.memory_space<vmem>>, vector<16xi32>,
      %add3A_180 = arith.constant 32 : i32
      %add3A_181 = arith.addi %add3A_180, %scan3A_113 : i32
      %get3A_182 = arith.index_cast %add3A_181 : i32 to index
      %get3A_183 = arith.constant 32 : index
      %get3A_184 = tpu.vector_load %arg5[%get3A_182, %get3A_183] {strides = array<i32>} : memref<64x128xi32, #tpu.memory_space<vmem>>, vector<16xi32>,
      %sub3A_185 = vector.broadcast %mul3A_37 : i32 to vector<16xi32>
      %sub3A_186 = arith.subi %get3A_184, %sub3A_185 : vector<16xi32>
      %shift_right_arithmetic3A_187 = arith.constant 7 : i32
      %shift_right_arithmetic3A_188 = vector.broadcast %shift_right_arithmetic3A_187 : i32 to vector<16xi32>
      %shift_right_arithmetic3A_189 = arith.shrsi %get3A_179, %shift_right_arithmetic3A_188 : vector<16xi32>
      %shift_left3A_190 = arith.constant 6 : i32
      %shift_left3A_191 = vector.broadcast %shift_left3A_190 : i32 to vector<16xi32>
      %shift_left3A_192 = arith.shli %shift_right_arithmetic3A_189, %shift_left3A_191 : vector<16xi32>
      %ge3A_193 = arith.constant 0 : i32
      %ge3A_194 = vector.broadcast %ge3A_193 : i32 to vector<16xi32>
      %ge3A_195 = arith.cmpi sge, %sub3A_186, %ge3A_194 : vector<16xi32>
      %lt3A_196 = arith.constant 64 : i32
      %lt3A_197 = vector.broadcast %lt3A_196 : i32 to vector<16xi32>
      %lt3A_198 = arith.cmpi slt, %sub3A_186, %lt3A_197 : vector<16xi32>
      %and3A_199 = arith.andi %ge3A_195, %lt3A_198 : vector<16xi1>
      %add3A_200 = arith.constant 513 : i32
      %add3A_201 = vector.broadcast %add3A_200 : i32 to vector<16xi32>
      %add3A_202 = arith.addi %add3A_201, %sub3A_186 : vector<16xi32>
      %add3A_203 = arith.addi %add3A_202, %shift_left3A_192 : vector<16xi32>
      %jit3A_204 = arith.constant 512 : i32
      %broadcast_in_dim3A_205 = vector.broadcast %jit3A_204 : i32 to vector<16xi32>
      %select_n3A_206 = arith.select %and3A_199, %add3A_203, %broadcast_in_dim3A_205 : vector<16xi1>, vector<16xi32>
      %and3A_207 = arith.constant 127 : i32
      %and3A_208 = vector.broadcast %and3A_207 : i32 to vector<16xi32>
      %and3A_209 = arith.andi %get3A_179, %and3A_208 : vector<16xi32>
      tpu.vector_store_idx %arg6[%select_n3A_206, %and3A_209], %broadcast_in_dim3A_1 {add = true} : memref<641x128xf32, #tpu.memory_space<vmem>>[vector<16xi32>, vector<16xi32>], vector<16xf32>,
      %get3A_210 = arith.index_cast %scan3A_113 : i32 to index
      %get3A_211 = arith.constant 48 : index
      %get3A_212 = tpu.vector_load %arg5[%get3A_210, %get3A_211] {strides = array<i32>} : memref<64x128xi32, #tpu.memory_space<vmem>>, vector<16xi32>,
      %add3A_213 = arith.constant 32 : i32
      %add3A_214 = arith.addi %add3A_213, %scan3A_113 : i32
      %get3A_215 = arith.index_cast %add3A_214 : i32 to index
      %get3A_216 = arith.constant 48 : index
      %get3A_217 = tpu.vector_load %arg5[%get3A_215, %get3A_216] {strides = array<i32>} : memref<64x128xi32, #tpu.memory_space<vmem>>, vector<16xi32>,
      %sub3A_218 = vector.broadcast %mul3A_37 : i32 to vector<16xi32>
      %sub3A_219 = arith.subi %get3A_217, %sub3A_218 : vector<16xi32>
      %shift_right_arithmetic3A_220 = arith.constant 7 : i32
      %shift_right_arithmetic3A_221 = vector.broadcast %shift_right_arithmetic3A_220 : i32 to vector<16xi32>
      %shift_right_arithmetic3A_222 = arith.shrsi %get3A_212, %shift_right_arithmetic3A_221 : vector<16xi32>
      %shift_left3A_223 = arith.constant 6 : i32
      %shift_left3A_224 = vector.broadcast %shift_left3A_223 : i32 to vector<16xi32>
      %shift_left3A_225 = arith.shli %shift_right_arithmetic3A_222, %shift_left3A_224 : vector<16xi32>
      %ge3A_226 = arith.constant 0 : i32
      %ge3A_227 = vector.broadcast %ge3A_226 : i32 to vector<16xi32>
      %ge3A_228 = arith.cmpi sge, %sub3A_219, %ge3A_227 : vector<16xi32>
      %lt3A_229 = arith.constant 64 : i32
      %lt3A_230 = vector.broadcast %lt3A_229 : i32 to vector<16xi32>
      %lt3A_231 = arith.cmpi slt, %sub3A_219, %lt3A_230 : vector<16xi32>
      %and3A_232 = arith.andi %ge3A_228, %lt3A_231 : vector<16xi1>
      %add3A_233 = arith.constant 513 : i32
      %add3A_234 = vector.broadcast %add3A_233 : i32 to vector<16xi32>
      %add3A_235 = arith.addi %add3A_234, %sub3A_219 : vector<16xi32>
      %add3A_236 = arith.addi %add3A_235, %shift_left3A_225 : vector<16xi32>
      %jit3A_237 = arith.constant 512 : i32
      %broadcast_in_dim3A_238 = vector.broadcast %jit3A_237 : i32 to vector<16xi32>
      %select_n3A_239 = arith.select %and3A_232, %add3A_236, %broadcast_in_dim3A_238 : vector<16xi1>, vector<16xi32>
      %and3A_240 = arith.constant 127 : i32
      %and3A_241 = vector.broadcast %and3A_240 : i32 to vector<16xi32>
      %and3A_242 = arith.andi %get3A_212, %and3A_241 : vector<16xi32>
      tpu.vector_store_idx %arg6[%select_n3A_239, %and3A_242], %broadcast_in_dim3A_1 {add = true} : memref<641x128xf32, #tpu.memory_space<vmem>>[vector<16xi32>, vector<16xi32>], vector<16xf32>,
      %get3A_243 = arith.index_cast %scan3A_113 : i32 to index
      %get3A_244 = arith.constant 64 : index
      %get3A_245 = tpu.vector_load %arg5[%get3A_243, %get3A_244] {strides = array<i32>} : memref<64x128xi32, #tpu.memory_space<vmem>>, vector<16xi32>,
      %add3A_246 = arith.constant 32 : i32
      %add3A_247 = arith.addi %add3A_246, %scan3A_113 : i32
      %get3A_248 = arith.index_cast %add3A_247 : i32 to index
      %get3A_249 = arith.constant 64 : index
      %get3A_250 = tpu.vector_load %arg5[%get3A_248, %get3A_249] {strides = array<i32>} : memref<64x128xi32, #tpu.memory_space<vmem>>, vector<16xi32>,
      %sub3A_251 = vector.broadcast %mul3A_37 : i32 to vector<16xi32>
      %sub3A_252 = arith.subi %get3A_250, %sub3A_251 : vector<16xi32>
      %shift_right_arithmetic3A_253 = arith.constant 7 : i32
      %shift_right_arithmetic3A_254 = vector.broadcast %shift_right_arithmetic3A_253 : i32 to vector<16xi32>
      %shift_right_arithmetic3A_255 = arith.shrsi %get3A_245, %shift_right_arithmetic3A_254 : vector<16xi32>
      %shift_left3A_256 = arith.constant 6 : i32
      %shift_left3A_257 = vector.broadcast %shift_left3A_256 : i32 to vector<16xi32>
      %shift_left3A_258 = arith.shli %shift_right_arithmetic3A_255, %shift_left3A_257 : vector<16xi32>
      %ge3A_259 = arith.constant 0 : i32
      %ge3A_260 = vector.broadcast %ge3A_259 : i32 to vector<16xi32>
      %ge3A_261 = arith.cmpi sge, %sub3A_252, %ge3A_260 : vector<16xi32>
      %lt3A_262 = arith.constant 64 : i32
      %lt3A_263 = vector.broadcast %lt3A_262 : i32 to vector<16xi32>
      %lt3A_264 = arith.cmpi slt, %sub3A_252, %lt3A_263 : vector<16xi32>
      %and3A_265 = arith.andi %ge3A_261, %lt3A_264 : vector<16xi1>
      %add3A_266 = arith.constant 513 : i32
      %add3A_267 = vector.broadcast %add3A_266 : i32 to vector<16xi32>
      %add3A_268 = arith.addi %add3A_267, %sub3A_252 : vector<16xi32>
      %add3A_269 = arith.addi %add3A_268, %shift_left3A_258 : vector<16xi32>
      %jit3A_270 = arith.constant 512 : i32
      %broadcast_in_dim3A_271 = vector.broadcast %jit3A_270 : i32 to vector<16xi32>
      %select_n3A_272 = arith.select %and3A_265, %add3A_269, %broadcast_in_dim3A_271 : vector<16xi1>, vector<16xi32>
      %and3A_273 = arith.constant 127 : i32
      %and3A_274 = vector.broadcast %and3A_273 : i32 to vector<16xi32>
      %and3A_275 = arith.andi %get3A_245, %and3A_274 : vector<16xi32>
      tpu.vector_store_idx %arg6[%select_n3A_272, %and3A_275], %broadcast_in_dim3A_1 {add = true} : memref<641x128xf32, #tpu.memory_space<vmem>>[vector<16xi32>, vector<16xi32>], vector<16xf32>,
      %get3A_276 = arith.index_cast %scan3A_113 : i32 to index
      %get3A_277 = arith.constant 80 : index
      %get3A_278 = tpu.vector_load %arg5[%get3A_276, %get3A_277] {strides = array<i32>} : memref<64x128xi32, #tpu.memory_space<vmem>>, vector<16xi32>,
      %add3A_279 = arith.constant 32 : i32
      %add3A_280 = arith.addi %add3A_279, %scan3A_113 : i32
      %get3A_281 = arith.index_cast %add3A_280 : i32 to index
      %get3A_282 = arith.constant 80 : index
      %get3A_283 = tpu.vector_load %arg5[%get3A_281, %get3A_282] {strides = array<i32>} : memref<64x128xi32, #tpu.memory_space<vmem>>, vector<16xi32>,
      %sub3A_284 = vector.broadcast %mul3A_37 : i32 to vector<16xi32>
      %sub3A_285 = arith.subi %get3A_283, %sub3A_284 : vector<16xi32>
      %shift_right_arithmetic3A_286 = arith.constant 7 : i32
      %shift_right_arithmetic3A_287 = vector.broadcast %shift_right_arithmetic3A_286 : i32 to vector<16xi32>
      %shift_right_arithmetic3A_288 = arith.shrsi %get3A_278, %shift_right_arithmetic3A_287 : vector<16xi32>
      %shift_left3A_289 = arith.constant 6 : i32
      %shift_left3A_290 = vector.broadcast %shift_left3A_289 : i32 to vector<16xi32>
      %shift_left3A_291 = arith.shli %shift_right_arithmetic3A_288, %shift_left3A_290 : vector<16xi32>
      %ge3A_292 = arith.constant 0 : i32
      %ge3A_293 = vector.broadcast %ge3A_292 : i32 to vector<16xi32>
      %ge3A_294 = arith.cmpi sge, %sub3A_285, %ge3A_293 : vector<16xi32>
      %lt3A_295 = arith.constant 64 : i32
      %lt3A_296 = vector.broadcast %lt3A_295 : i32 to vector<16xi32>
      %lt3A_297 = arith.cmpi slt, %sub3A_285, %lt3A_296 : vector<16xi32>
      %and3A_298 = arith.andi %ge3A_294, %lt3A_297 : vector<16xi1>
      %add3A_299 = arith.constant 513 : i32
      %add3A_300 = vector.broadcast %add3A_299 : i32 to vector<16xi32>
      %add3A_301 = arith.addi %add3A_300, %sub3A_285 : vector<16xi32>
      %add3A_302 = arith.addi %add3A_301, %shift_left3A_291 : vector<16xi32>
      %jit3A_303 = arith.constant 512 : i32
      %broadcast_in_dim3A_304 = vector.broadcast %jit3A_303 : i32 to vector<16xi32>
      %select_n3A_305 = arith.select %and3A_298, %add3A_302, %broadcast_in_dim3A_304 : vector<16xi1>, vector<16xi32>
      %and3A_306 = arith.constant 127 : i32
      %and3A_307 = vector.broadcast %and3A_306 : i32 to vector<16xi32>
      %and3A_308 = arith.andi %get3A_278, %and3A_307 : vector<16xi32>
      tpu.vector_store_idx %arg6[%select_n3A_305, %and3A_308], %broadcast_in_dim3A_1 {add = true} : memref<641x128xf32, #tpu.memory_space<vmem>>[vector<16xi32>, vector<16xi32>], vector<16xf32>,
      %get3A_309 = arith.index_cast %scan3A_113 : i32 to index
      %get3A_310 = arith.constant 96 : index
      %get3A_311 = tpu.vector_load %arg5[%get3A_309, %get3A_310] {strides = array<i32>} : memref<64x128xi32, #tpu.memory_space<vmem>>, vector<16xi32>,
      %add3A_312 = arith.constant 32 : i32
      %add3A_313 = arith.addi %add3A_312, %scan3A_113 : i32
      %get3A_314 = arith.index_cast %add3A_313 : i32 to index
      %get3A_315 = arith.constant 96 : index
      %get3A_316 = tpu.vector_load %arg5[%get3A_314, %get3A_315] {strides = array<i32>} : memref<64x128xi32, #tpu.memory_space<vmem>>, vector<16xi32>,
      %sub3A_317 = vector.broadcast %mul3A_37 : i32 to vector<16xi32>
      %sub3A_318 = arith.subi %get3A_316, %sub3A_317 : vector<16xi32>
      %shift_right_arithmetic3A_319 = arith.constant 7 : i32
      %shift_right_arithmetic3A_320 = vector.broadcast %shift_right_arithmetic3A_319 : i32 to vector<16xi32>
      %shift_right_arithmetic3A_321 = arith.shrsi %get3A_311, %shift_right_arithmetic3A_320 : vector<16xi32>
      %shift_left3A_322 = arith.constant 6 : i32
      %shift_left3A_323 = vector.broadcast %shift_left3A_322 : i32 to vector<16xi32>
      %shift_left3A_324 = arith.shli %shift_right_arithmetic3A_321, %shift_left3A_323 : vector<16xi32>
      %ge3A_325 = arith.constant 0 : i32
      %ge3A_326 = vector.broadcast %ge3A_325 : i32 to vector<16xi32>
      %ge3A_327 = arith.cmpi sge, %sub3A_318, %ge3A_326 : vector<16xi32>
      %lt3A_328 = arith.constant 64 : i32
      %lt3A_329 = vector.broadcast %lt3A_328 : i32 to vector<16xi32>
      %lt3A_330 = arith.cmpi slt, %sub3A_318, %lt3A_329 : vector<16xi32>
      %and3A_331 = arith.andi %ge3A_327, %lt3A_330 : vector<16xi1>
      %add3A_332 = arith.constant 513 : i32
      %add3A_333 = vector.broadcast %add3A_332 : i32 to vector<16xi32>
      %add3A_334 = arith.addi %add3A_333, %sub3A_318 : vector<16xi32>
      %add3A_335 = arith.addi %add3A_334, %shift_left3A_324 : vector<16xi32>
      %jit3A_336 = arith.constant 512 : i32
      %broadcast_in_dim3A_337 = vector.broadcast %jit3A_336 : i32 to vector<16xi32>
      %select_n3A_338 = arith.select %and3A_331, %add3A_335, %broadcast_in_dim3A_337 : vector<16xi1>, vector<16xi32>
      %and3A_339 = arith.constant 127 : i32
      %and3A_340 = vector.broadcast %and3A_339 : i32 to vector<16xi32>
      %and3A_341 = arith.andi %get3A_311, %and3A_340 : vector<16xi32>
      tpu.vector_store_idx %arg6[%select_n3A_338, %and3A_341], %broadcast_in_dim3A_1 {add = true} : memref<641x128xf32, #tpu.memory_space<vmem>>[vector<16xi32>, vector<16xi32>], vector<16xf32>,
      %get3A_342 = arith.index_cast %scan3A_113 : i32 to index
      %get3A_343 = arith.constant 112 : index
      %get3A_344 = tpu.vector_load %arg5[%get3A_342, %get3A_343] {strides = array<i32>} : memref<64x128xi32, #tpu.memory_space<vmem>>, vector<16xi32>,
      %add3A_345 = arith.constant 32 : i32
      %add3A_346 = arith.addi %add3A_345, %scan3A_113 : i32
      %get3A_347 = arith.index_cast %add3A_346 : i32 to index
      %get3A_348 = arith.constant 112 : index
      %get3A_349 = tpu.vector_load %arg5[%get3A_347, %get3A_348] {strides = array<i32>} : memref<64x128xi32, #tpu.memory_space<vmem>>, vector<16xi32>,
      %sub3A_350 = vector.broadcast %mul3A_37 : i32 to vector<16xi32>
      %sub3A_351 = arith.subi %get3A_349, %sub3A_350 : vector<16xi32>
      %shift_right_arithmetic3A_352 = arith.constant 7 : i32
      %shift_right_arithmetic3A_353 = vector.broadcast %shift_right_arithmetic3A_352 : i32 to vector<16xi32>
      %shift_right_arithmetic3A_354 = arith.shrsi %get3A_344, %shift_right_arithmetic3A_353 : vector<16xi32>
      %shift_left3A_355 = arith.constant 6 : i32
      %shift_left3A_356 = vector.broadcast %shift_left3A_355 : i32 to vector<16xi32>
      %shift_left3A_357 = arith.shli %shift_right_arithmetic3A_354, %shift_left3A_356 : vector<16xi32>
      %ge3A_358 = arith.constant 0 : i32
      %ge3A_359 = vector.broadcast %ge3A_358 : i32 to vector<16xi32>
      %ge3A_360 = arith.cmpi sge, %sub3A_351, %ge3A_359 : vector<16xi32>
      %lt3A_361 = arith.constant 64 : i32
      %lt3A_362 = vector.broadcast %lt3A_361 : i32 to vector<16xi32>
      %lt3A_363 = arith.cmpi slt, %sub3A_351, %lt3A_362 : vector<16xi32>
      %and3A_364 = arith.andi %ge3A_360, %lt3A_363 : vector<16xi1>
      %add3A_365 = arith.constant 513 : i32
      %add3A_366 = vector.broadcast %add3A_365 : i32 to vector<16xi32>
      %add3A_367 = arith.addi %add3A_366, %sub3A_351 : vector<16xi32>
      %add3A_368 = arith.addi %add3A_367, %shift_left3A_357 : vector<16xi32>
      %jit3A_369 = arith.constant 512 : i32
      %broadcast_in_dim3A_370 = vector.broadcast %jit3A_369 : i32 to vector<16xi32>
      %select_n3A_371 = arith.select %and3A_364, %add3A_368, %broadcast_in_dim3A_370 : vector<16xi1>, vector<16xi32>
      %and3A_372 = arith.constant 127 : i32
      %and3A_373 = vector.broadcast %and3A_372 : i32 to vector<16xi32>
      %and3A_374 = arith.andi %get3A_344, %and3A_373 : vector<16xi32>
      tpu.vector_store_idx %arg6[%select_n3A_371, %and3A_374], %broadcast_in_dim3A_1 {add = true} : memref<641x128xf32, #tpu.memory_space<vmem>>[vector<16xi32>, vector<16xi32>], vector<16xf32>,
      %scan3A_375 = arith.constant 0 : i32
      scf.yield %scan3A_375 : i32
    }
    %scan3A_96 = arith.constant 32 : i32
    "tpu.region"() ({
      %run_scoped3A = tpu.sem_alloc : memref<!tpu.dma_semaphore, #tpu.memory_space<semaphore_mem>>
      %dma_start3A_113 = arith.constant 513 : i32
      %dma_start3A_114 = arith.constant 0 : i32
      %dma_start3A_115 = tpu.memref_slice %arg6[%dma_start3A_113, %dma_start3A_114] : memref<641x128xf32, #tpu.memory_space<vmem>> -> memref<64x128xf32, #tpu.memory_space<vmem>>
      %dma_start3A_116 = arith.constant 0 : i32
      %dma_start3A_117 = tpu.memref_slice %arg3[%add3A_21, %mul3A_37, %dma_start3A_116] : memref<40x512x128xf32, #tpu.memory_space<hbm>> -> memref<1x64x128xf32, #tpu.memory_space<hbm>>
      %dma_start3A_118 = tpu.memref_squeeze %dma_start3A_117 : memref<1x64x128xf32, #tpu.memory_space<hbm>> -> memref<64x128xf32, #tpu.memory_space<hbm>>
      %dma_start3A_119 = arith.constant 0 : i32
      %dma_start3A_120 = tpu.memref_slice %arg3[%add3A_21, %mul3A_37, %dma_start3A_119] : memref<40x512x128xf32, #tpu.memory_space<hbm>> -> memref<1x64x128xf32, #tpu.memory_space<hbm>>
      %dma_start3A_121 = tpu.memref_squeeze %dma_start3A_120 : memref<1x64x128xf32, #tpu.memory_space<hbm>> -> memref<64x128xf32, #tpu.memory_space<hbm>>
      %dma_start3A_122 = arith.constant 513 : i32
      %dma_start3A_123 = arith.constant 0 : i32
      %dma_start3A_124 = tpu.memref_slice %arg6[%dma_start3A_122, %dma_start3A_123] : memref<641x128xf32, #tpu.memory_space<vmem>> -> memref<64x128xf32, #tpu.memory_space<vmem>>
      tpu.enqueue_dma source(%dma_start3A_124 : memref<64x128xf32, #tpu.memory_space<vmem>>) target(%dma_start3A_121 : memref<64x128xf32, #tpu.memory_space<hbm>>) target_semaphore(%run_scoped3A : memref<!tpu.dma_semaphore, #tpu.memory_space<semaphore_mem>>)
      %dma_wait3A_125 = arith.constant 513 : i32
      %dma_wait3A_126 = arith.constant 0 : i32
      %dma_wait3A_127 = tpu.memref_slice %arg6[%dma_wait3A_125, %dma_wait3A_126] : memref<641x128xf32, #tpu.memory_space<vmem>> -> memref<64x128xf32, #tpu.memory_space<vmem>>
      %dma_wait3A_128 = arith.constant 0 : i32
      %dma_wait3A_129 = tpu.memref_slice %arg3[%add3A_21, %mul3A_37, %dma_wait3A_128] : memref<40x512x128xf32, #tpu.memory_space<hbm>> -> memref<1x64x128xf32, #tpu.memory_space<hbm>>
      %dma_wait3A_130 = tpu.memref_squeeze %dma_wait3A_129 : memref<1x64x128xf32, #tpu.memory_space<hbm>> -> memref<64x128xf32, #tpu.memory_space<hbm>>
      %dma_wait3A_131 = arith.constant 0 : i32
      %dma_wait3A_132 = tpu.memref_slice %arg3[%add3A_21, %mul3A_37, %dma_wait3A_131] : memref<40x512x128xf32, #tpu.memory_space<hbm>> -> memref<1x64x128xf32, #tpu.memory_space<hbm>>
      %dma_wait3A_133 = tpu.memref_squeeze %dma_wait3A_132 : memref<1x64x128xf32, #tpu.memory_space<hbm>> -> memref<64x128xf32, #tpu.memory_space<hbm>>
      %dma_wait3A_134 = arith.constant 513 : i32
      %dma_wait3A_135 = arith.constant 0 : i32
      %dma_wait3A_136 = tpu.memref_slice %arg6[%dma_wait3A_134, %dma_wait3A_135] : memref<641x128xf32, #tpu.memory_space<vmem>> -> memref<64x128xf32, #tpu.memory_space<vmem>>
      tpu.wait_dma2 semaphore(%run_scoped3A : memref<!tpu.dma_semaphore, #tpu.memory_space<semaphore_mem>>) src(%dma_wait3A_136 : memref<64x128xf32, #tpu.memory_space<vmem>>) dst(%dma_wait3A_133 : memref<64x128xf32, #tpu.memory_space<hbm>>)
      tpu.yield
    }) : () -> ()
    %add3A_97 = arith.constant 256 : i32
    %add3A_98 = arith.addi %add3A_97, %mul3A_37 : i32
    "tpu.region"() ({
      %run_scoped3A = tpu.sem_alloc : memref<!tpu.dma_semaphore, #tpu.memory_space<semaphore_mem>>
      %dma_start3A_113 = arith.constant 577 : i32
      %dma_start3A_114 = arith.constant 0 : i32
      %dma_start3A_115 = tpu.memref_slice %arg6[%dma_start3A_113, %dma_start3A_114] : memref<641x128xf32, #tpu.memory_space<vmem>> -> memref<64x128xf32, #tpu.memory_space<vmem>>
      %dma_start3A_116 = arith.constant 0 : i32
      %dma_start3A_117 = tpu.memref_slice %arg3[%add3A_21, %add3A_98, %dma_start3A_116] : memref<40x512x128xf32, #tpu.memory_space<hbm>> -> memref<1x64x128xf32, #tpu.memory_space<hbm>>
      %dma_start3A_118 = tpu.memref_squeeze %dma_start3A_117 : memref<1x64x128xf32, #tpu.memory_space<hbm>> -> memref<64x128xf32, #tpu.memory_space<hbm>>
      %dma_start3A_119 = arith.constant 0 : i32
      %dma_start3A_120 = tpu.memref_slice %arg3[%add3A_21, %add3A_98, %dma_start3A_119] : memref<40x512x128xf32, #tpu.memory_space<hbm>> -> memref<1x64x128xf32, #tpu.memory_space<hbm>>
      %dma_start3A_121 = tpu.memref_squeeze %dma_start3A_120 : memref<1x64x128xf32, #tpu.memory_space<hbm>> -> memref<64x128xf32, #tpu.memory_space<hbm>>
      %dma_start3A_122 = arith.constant 577 : i32
      %dma_start3A_123 = arith.constant 0 : i32
      %dma_start3A_124 = tpu.memref_slice %arg6[%dma_start3A_122, %dma_start3A_123] : memref<641x128xf32, #tpu.memory_space<vmem>> -> memref<64x128xf32, #tpu.memory_space<vmem>>
      tpu.enqueue_dma source(%dma_start3A_124 : memref<64x128xf32, #tpu.memory_space<vmem>>) target(%dma_start3A_121 : memref<64x128xf32, #tpu.memory_space<hbm>>) target_semaphore(%run_scoped3A : memref<!tpu.dma_semaphore, #tpu.memory_space<semaphore_mem>>)
      %dma_wait3A_125 = arith.constant 577 : i32
      %dma_wait3A_126 = arith.constant 0 : i32
      %dma_wait3A_127 = tpu.memref_slice %arg6[%dma_wait3A_125, %dma_wait3A_126] : memref<641x128xf32, #tpu.memory_space<vmem>> -> memref<64x128xf32, #tpu.memory_space<vmem>>
      %dma_wait3A_128 = arith.constant 0 : i32
      %dma_wait3A_129 = tpu.memref_slice %arg3[%add3A_21, %add3A_98, %dma_wait3A_128] : memref<40x512x128xf32, #tpu.memory_space<hbm>> -> memref<1x64x128xf32, #tpu.memory_space<hbm>>
      %dma_wait3A_130 = tpu.memref_squeeze %dma_wait3A_129 : memref<1x64x128xf32, #tpu.memory_space<hbm>> -> memref<64x128xf32, #tpu.memory_space<hbm>>
      %dma_wait3A_131 = arith.constant 0 : i32
      %dma_wait3A_132 = tpu.memref_slice %arg3[%add3A_21, %add3A_98, %dma_wait3A_131] : memref<40x512x128xf32, #tpu.memory_space<hbm>> -> memref<1x64x128xf32, #tpu.memory_space<hbm>>
      %dma_wait3A_133 = tpu.memref_squeeze %dma_wait3A_132 : memref<1x64x128xf32, #tpu.memory_space<hbm>> -> memref<64x128xf32, #tpu.memory_space<hbm>>
      %dma_wait3A_134 = arith.constant 577 : i32
      %dma_wait3A_135 = arith.constant 0 : i32
      %dma_wait3A_136 = tpu.memref_slice %arg6[%dma_wait3A_134, %dma_wait3A_135] : memref<641x128xf32, #tpu.memory_space<vmem>> -> memref<64x128xf32, #tpu.memory_space<vmem>>
      tpu.wait_dma2 semaphore(%run_scoped3A : memref<!tpu.dma_semaphore, #tpu.memory_space<semaphore_mem>>) src(%dma_wait3A_136 : memref<64x128xf32, #tpu.memory_space<vmem>>) dst(%dma_wait3A_133 : memref<64x128xf32, #tpu.memory_space<hbm>>)
      tpu.yield
    }) : () -> ()
    %dma_wait3A_99 = arith.constant 0 : i32
    %dma_wait3A_100 = arith.constant 0 : i32
    %dma_wait3A_101 = tpu.memref_slice %arg6[%dma_wait3A_99, %dma_wait3A_100] : memref<641x128xf32, #tpu.memory_space<vmem>> -> memref<512x128xf32, #tpu.memory_space<vmem>>
    %dma_wait3A_102 = arith.constant 0 : i32
    %dma_wait3A_103 = arith.constant 0 : i32
    %dma_wait3A_104 = tpu.memref_slice %arg3[%add3A, %dma_wait3A_102, %dma_wait3A_103] : memref<40x512x128xf32, #tpu.memory_space<hbm>> -> memref<1x512x128xf32, #tpu.memory_space<hbm>>
    %dma_wait3A_105 = tpu.memref_squeeze %dma_wait3A_104 : memref<1x512x128xf32, #tpu.memory_space<hbm>> -> memref<512x128xf32, #tpu.memory_space<hbm>>
    %dma_wait3A_106 = arith.constant 0 : i32
    %dma_wait3A_107 = arith.constant 0 : i32
    %dma_wait3A_108 = tpu.memref_slice %arg3[%add3A, %dma_wait3A_106, %dma_wait3A_107] : memref<40x512x128xf32, #tpu.memory_space<hbm>> -> memref<1x512x128xf32, #tpu.memory_space<hbm>>
    %dma_wait3A_109 = tpu.memref_squeeze %dma_wait3A_108 : memref<1x512x128xf32, #tpu.memory_space<hbm>> -> memref<512x128xf32, #tpu.memory_space<hbm>>
    %dma_wait3A_110 = arith.constant 0 : i32
    %dma_wait3A_111 = arith.constant 0 : i32
    %dma_wait3A_112 = tpu.memref_slice %arg6[%dma_wait3A_110, %dma_wait3A_111] : memref<641x128xf32, #tpu.memory_space<vmem>> -> memref<512x128xf32, #tpu.memory_space<vmem>>
    tpu.wait_dma2 semaphore(%arg9 : memref<!tpu.dma_semaphore, #tpu.memory_space<semaphore_mem>>) src(%dma_wait3A_112 : memref<512x128xf32, #tpu.memory_space<vmem>>) dst(%dma_wait3A_109 : memref<512x128xf32, #tpu.memory_space<hbm>>)
    return
  }
}

module attributes {stable_mosaic.version = 14 : i64} {
  func.func @_h0_body(%arg0: i32, %arg1: memref<250x8x256xf32, #tpu.memory_space<vmem>>, %arg2: memref<256x256xf32, #tpu.memory_space<vmem>>, %arg3: memref<2000x256xbf16, #tpu.memory_space<vmem>>) attributes {dimension_semantics = [#tpu.dimension_semantics<arbitrary>], iteration_bounds = array<i64: 5>, scalar_prefetch = 0 : i64, scratch_operands = 0 : i64, tpu.core_type = #tpu.core_type<tc>, window_params = [{transform_indices = @transform_0, window_bounds = array<i64: 250, 8, 256>}, {pipeline_mode = #tpu.pipeline_mode<synchronous>, transform_indices = @transform_1, window_bounds = array<i64: 256, 256>}, {transform_indices = @transform_2, window_bounds = array<i64: 2000, 256>}]} {
    %get3A = arith.constant 0 : index
    %get3A_0 = arith.constant 0 : index
    %get3A_1 = vector.load %arg2[%get3A, %get3A_0] : memref<256x256xf32, #tpu.memory_space<vmem>>, vector<256x256xf32>
    %get3A_2 = arith.constant 0 : index
    %get3A_3 = arith.constant 0 : index
    %get3A_4 = arith.constant 0 : index
    %get3A_5 = vector.load %arg1[%get3A_2, %get3A_3, %get3A_4] : memref<250x8x256xf32, #tpu.memory_space<vmem>>, vector<250x1x256xf32>
    %get3A_6 = vector.shape_cast %get3A_5 : vector<250x1x256xf32> to vector<250x256xf32>
    %dot_general3A = arith.constant dense<0.000000e+00> : vector<250x256xf32>
    %dot_general3A_7 = tpu.matmul %get3A_6, %get3A_1, %dot_general3A {dimension_numbers = #tpu.dot_dimension_numbers<[1], [0], [0], [1], [0, 0, 1, 1], [], []>, transpose_lhs_hint = false} : vector<250x256xf32>, vector<256x256xf32>, vector<250x256xf32> -> vector<250x256xf32>
    %convert_element_type3A = arith.truncf %dot_general3A_7 : vector<250x256xf32> to vector<250x256xbf16>
    %swap3A = arith.constant 0 : index
    %swap3A_8 = arith.constant 0 : index
    %swap3A_9 = vector.load %arg3[%swap3A, %swap3A_8] : memref<2000x256xbf16, #tpu.memory_space<vmem>>, vector<250x256xbf16>
    tpu.vector_store %arg3[%swap3A, %swap3A_8], %convert_element_type3A {strides = array<i32>} : memref<2000x256xbf16, #tpu.memory_space<vmem>>, vector<250x256xbf16>,
    %get3A_10 = arith.constant 0 : index
    %get3A_11 = arith.constant 1 : index
    %get3A_12 = arith.constant 0 : index
    %get3A_13 = vector.load %arg1[%get3A_10, %get3A_11, %get3A_12] : memref<250x8x256xf32, #tpu.memory_space<vmem>>, vector<250x1x256xf32>
    %get3A_14 = vector.shape_cast %get3A_13 : vector<250x1x256xf32> to vector<250x256xf32>
    %dot_general3A_15 = arith.constant dense<0.000000e+00> : vector<250x256xf32>
    %dot_general3A_16 = tpu.matmul %get3A_14, %get3A_1, %dot_general3A_15 {dimension_numbers = #tpu.dot_dimension_numbers<[1], [0], [0], [1], [0, 0, 1, 1], [], []>, transpose_lhs_hint = false} : vector<250x256xf32>, vector<256x256xf32>, vector<250x256xf32> -> vector<250x256xf32>
    %convert_element_type3A_17 = arith.truncf %dot_general3A_16 : vector<250x256xf32> to vector<250x256xbf16>
    %swap3A_18 = arith.constant 250 : index
    %swap3A_19 = arith.constant 0 : index
    %swap3A_20 = vector.load %arg3[%swap3A_18, %swap3A_19] : memref<2000x256xbf16, #tpu.memory_space<vmem>>, vector<250x256xbf16>
    tpu.vector_store %arg3[%swap3A_18, %swap3A_19], %convert_element_type3A_17 {strides = array<i32>} : memref<2000x256xbf16, #tpu.memory_space<vmem>>, vector<250x256xbf16>,
    %get3A_21 = arith.constant 0 : index
    %get3A_22 = arith.constant 2 : index
    %get3A_23 = arith.constant 0 : index
    %get3A_24 = vector.load %arg1[%get3A_21, %get3A_22, %get3A_23] : memref<250x8x256xf32, #tpu.memory_space<vmem>>, vector<250x1x256xf32>
    %get3A_25 = vector.shape_cast %get3A_24 : vector<250x1x256xf32> to vector<250x256xf32>
    %dot_general3A_26 = arith.constant dense<0.000000e+00> : vector<250x256xf32>
    %dot_general3A_27 = tpu.matmul %get3A_25, %get3A_1, %dot_general3A_26 {dimension_numbers = #tpu.dot_dimension_numbers<[1], [0], [0], [1], [0, 0, 1, 1], [], []>, transpose_lhs_hint = false} : vector<250x256xf32>, vector<256x256xf32>, vector<250x256xf32> -> vector<250x256xf32>
    %convert_element_type3A_28 = arith.truncf %dot_general3A_27 : vector<250x256xf32> to vector<250x256xbf16>
    %swap3A_29 = arith.constant 500 : index
    %swap3A_30 = arith.constant 0 : index
    %swap3A_31 = vector.load %arg3[%swap3A_29, %swap3A_30] : memref<2000x256xbf16, #tpu.memory_space<vmem>>, vector<250x256xbf16>
    tpu.vector_store %arg3[%swap3A_29, %swap3A_30], %convert_element_type3A_28 {strides = array<i32>} : memref<2000x256xbf16, #tpu.memory_space<vmem>>, vector<250x256xbf16>,
    %get3A_32 = arith.constant 0 : index
    %get3A_33 = arith.constant 3 : index
    %get3A_34 = arith.constant 0 : index
    %get3A_35 = vector.load %arg1[%get3A_32, %get3A_33, %get3A_34] : memref<250x8x256xf32, #tpu.memory_space<vmem>>, vector<250x1x256xf32>
    %get3A_36 = vector.shape_cast %get3A_35 : vector<250x1x256xf32> to vector<250x256xf32>
    %dot_general3A_37 = arith.constant dense<0.000000e+00> : vector<250x256xf32>
    %dot_general3A_38 = tpu.matmul %get3A_36, %get3A_1, %dot_general3A_37 {dimension_numbers = #tpu.dot_dimension_numbers<[1], [0], [0], [1], [0, 0, 1, 1], [], []>, transpose_lhs_hint = false} : vector<250x256xf32>, vector<256x256xf32>, vector<250x256xf32> -> vector<250x256xf32>
    %convert_element_type3A_39 = arith.truncf %dot_general3A_38 : vector<250x256xf32> to vector<250x256xbf16>
    %swap3A_40 = arith.constant 750 : index
    %swap3A_41 = arith.constant 0 : index
    %swap3A_42 = vector.load %arg3[%swap3A_40, %swap3A_41] : memref<2000x256xbf16, #tpu.memory_space<vmem>>, vector<250x256xbf16>
    tpu.vector_store %arg3[%swap3A_40, %swap3A_41], %convert_element_type3A_39 {strides = array<i32>} : memref<2000x256xbf16, #tpu.memory_space<vmem>>, vector<250x256xbf16>,
    %get3A_43 = arith.constant 0 : index
    %get3A_44 = arith.constant 4 : index
    %get3A_45 = arith.constant 0 : index
    %get3A_46 = vector.load %arg1[%get3A_43, %get3A_44, %get3A_45] : memref<250x8x256xf32, #tpu.memory_space<vmem>>, vector<250x1x256xf32>
    %get3A_47 = vector.shape_cast %get3A_46 : vector<250x1x256xf32> to vector<250x256xf32>
    %dot_general3A_48 = arith.constant dense<0.000000e+00> : vector<250x256xf32>
    %dot_general3A_49 = tpu.matmul %get3A_47, %get3A_1, %dot_general3A_48 {dimension_numbers = #tpu.dot_dimension_numbers<[1], [0], [0], [1], [0, 0, 1, 1], [], []>, transpose_lhs_hint = false} : vector<250x256xf32>, vector<256x256xf32>, vector<250x256xf32> -> vector<250x256xf32>
    %convert_element_type3A_50 = arith.truncf %dot_general3A_49 : vector<250x256xf32> to vector<250x256xbf16>
    %swap3A_51 = arith.constant 1000 : index
    %swap3A_52 = arith.constant 0 : index
    %swap3A_53 = vector.load %arg3[%swap3A_51, %swap3A_52] : memref<2000x256xbf16, #tpu.memory_space<vmem>>, vector<250x256xbf16>
    tpu.vector_store %arg3[%swap3A_51, %swap3A_52], %convert_element_type3A_50 {strides = array<i32>} : memref<2000x256xbf16, #tpu.memory_space<vmem>>, vector<250x256xbf16>,
    %get3A_54 = arith.constant 0 : index
    %get3A_55 = arith.constant 5 : index
    %get3A_56 = arith.constant 0 : index
    %get3A_57 = vector.load %arg1[%get3A_54, %get3A_55, %get3A_56] : memref<250x8x256xf32, #tpu.memory_space<vmem>>, vector<250x1x256xf32>
    %get3A_58 = vector.shape_cast %get3A_57 : vector<250x1x256xf32> to vector<250x256xf32>
    %dot_general3A_59 = arith.constant dense<0.000000e+00> : vector<250x256xf32>
    %dot_general3A_60 = tpu.matmul %get3A_58, %get3A_1, %dot_general3A_59 {dimension_numbers = #tpu.dot_dimension_numbers<[1], [0], [0], [1], [0, 0, 1, 1], [], []>, transpose_lhs_hint = false} : vector<250x256xf32>, vector<256x256xf32>, vector<250x256xf32> -> vector<250x256xf32>
    %convert_element_type3A_61 = arith.truncf %dot_general3A_60 : vector<250x256xf32> to vector<250x256xbf16>
    %swap3A_62 = arith.constant 1250 : index
    %swap3A_63 = arith.constant 0 : index
    %swap3A_64 = vector.load %arg3[%swap3A_62, %swap3A_63] : memref<2000x256xbf16, #tpu.memory_space<vmem>>, vector<250x256xbf16>
    tpu.vector_store %arg3[%swap3A_62, %swap3A_63], %convert_element_type3A_61 {strides = array<i32>} : memref<2000x256xbf16, #tpu.memory_space<vmem>>, vector<250x256xbf16>,
    %get3A_65 = arith.constant 0 : index
    %get3A_66 = arith.constant 6 : index
    %get3A_67 = arith.constant 0 : index
    %get3A_68 = vector.load %arg1[%get3A_65, %get3A_66, %get3A_67] : memref<250x8x256xf32, #tpu.memory_space<vmem>>, vector<250x1x256xf32>
    %get3A_69 = vector.shape_cast %get3A_68 : vector<250x1x256xf32> to vector<250x256xf32>
    %dot_general3A_70 = arith.constant dense<0.000000e+00> : vector<250x256xf32>
    %dot_general3A_71 = tpu.matmul %get3A_69, %get3A_1, %dot_general3A_70 {dimension_numbers = #tpu.dot_dimension_numbers<[1], [0], [0], [1], [0, 0, 1, 1], [], []>, transpose_lhs_hint = false} : vector<250x256xf32>, vector<256x256xf32>, vector<250x256xf32> -> vector<250x256xf32>
    %convert_element_type3A_72 = arith.truncf %dot_general3A_71 : vector<250x256xf32> to vector<250x256xbf16>
    %swap3A_73 = arith.constant 1500 : index
    %swap3A_74 = arith.constant 0 : index
    %swap3A_75 = vector.load %arg3[%swap3A_73, %swap3A_74] : memref<2000x256xbf16, #tpu.memory_space<vmem>>, vector<250x256xbf16>
    tpu.vector_store %arg3[%swap3A_73, %swap3A_74], %convert_element_type3A_72 {strides = array<i32>} : memref<2000x256xbf16, #tpu.memory_space<vmem>>, vector<250x256xbf16>,
    %get3A_76 = arith.constant 0 : index
    %get3A_77 = arith.constant 7 : index
    %get3A_78 = arith.constant 0 : index
    %get3A_79 = vector.load %arg1[%get3A_76, %get3A_77, %get3A_78] : memref<250x8x256xf32, #tpu.memory_space<vmem>>, vector<250x1x256xf32>
    %get3A_80 = vector.shape_cast %get3A_79 : vector<250x1x256xf32> to vector<250x256xf32>
    %dot_general3A_81 = arith.constant dense<0.000000e+00> : vector<250x256xf32>
    %dot_general3A_82 = tpu.matmul %get3A_80, %get3A_1, %dot_general3A_81 {dimension_numbers = #tpu.dot_dimension_numbers<[1], [0], [0], [1], [0, 0, 1, 1], [], []>, transpose_lhs_hint = false} : vector<250x256xf32>, vector<256x256xf32>, vector<250x256xf32> -> vector<250x256xf32>
    %convert_element_type3A_83 = arith.truncf %dot_general3A_82 : vector<250x256xf32> to vector<250x256xbf16>
    %swap3A_84 = arith.constant 1750 : index
    %swap3A_85 = arith.constant 0 : index
    %swap3A_86 = vector.load %arg3[%swap3A_84, %swap3A_85] : memref<2000x256xbf16, #tpu.memory_space<vmem>>, vector<250x256xbf16>
    tpu.vector_store %arg3[%swap3A_84, %swap3A_85], %convert_element_type3A_83 {strides = array<i32>} : memref<2000x256xbf16, #tpu.memory_space<vmem>>, vector<250x256xbf16>,
    return
  }
  func.func @transform_0(%arg0: i32) -> (i32, i32, i32) {
    %c0_i32 = arith.constant 0 : i32
    %c0_i32_0 = arith.constant 0 : i32
    %c0_i32_1 = arith.constant 0 : i32
    return %c0_i32, %arg0, %c0_i32_0 : i32, i32, i32
  }
  func.func @transform_1(%arg0: i32) -> (i32, i32) {
    %c0_i32 = arith.constant 0 : i32
    %c0_i32_0 = arith.constant 0 : i32
    %c0_i32_1 = arith.constant 0 : i32
    return %c0_i32, %c0_i32_0 : i32, i32
  }
  func.func @transform_2(%arg0: i32) -> (i32, i32) {
    %c0_i32 = arith.constant 0 : i32
    %c0_i32_0 = arith.constant 0 : i32
    return %arg0, %c0_i32 : i32, i32
  }
}

module attributes {stable_mosaic.version = 14 : i64} {
  func.func @_gcn_head_body(%arg0: i32, %arg1: memref<8x512x128xf32, #tpu.memory_space<vmem>>, %arg2: memref<2000x256xbf16, #tpu.memory_space<vmem>>, %arg3: memref<256x256xf32, #tpu.memory_space<vmem>>, %arg4: memref<1x256xf32, #tpu.memory_space<vmem>>, %arg5: memref<1x256xf32, #tpu.memory_space<vmem>>, %arg6: memref<256x128xf32, #tpu.memory_space<vmem>>, %arg7: memref<128x128xf32, #tpu.memory_space<vmem>>, %arg8: memref<1x128xf32, #tpu.memory_space<vmem>>, %arg9: memref<1x128xf32, #tpu.memory_space<vmem>>, %arg10: memref<40x128xf32, #tpu.memory_space<vmem>>, %arg11: memref<40x256xf32, #tpu.memory_space<vmem>>) attributes {dimension_semantics = [#tpu.dimension_semantics<arbitrary>], iteration_bounds = array<i64: 5>, scalar_prefetch = 0 : i64, scratch_operands = 1 : i64, tpu.core_type = #tpu.core_type<tc>, window_params = [{transform_indices = @transform_0, window_bounds = array<i64: 8, 512, 128>}, {transform_indices = @transform_1, window_bounds = array<i64: 2000, 256>}, {pipeline_mode = #tpu.pipeline_mode<synchronous>, transform_indices = @transform_2, window_bounds = array<i64: 256, 256>}, {pipeline_mode = #tpu.pipeline_mode<synchronous>, transform_indices = @transform_3, window_bounds = array<i64: 1, 256>}, {pipeline_mode = #tpu.pipeline_mode<synchronous>, transform_indices = @transform_4, window_bounds = array<i64: 1, 256>}, {pipeline_mode = #tpu.pipeline_mode<synchronous>, transform_indices = @transform_5, window_bounds = array<i64: 256, 128>}, {pipeline_mode = #tpu.pipeline_mode<synchronous>, transform_indices = @transform_6, window_bounds = array<i64: 128, 128>}, {pipeline_mode = #tpu.pipeline_mode<synchronous>, transform_indices = @transform_7, window_bounds = array<i64: 1, 128>}, {pipeline_mode = #tpu.pipeline_mode<synchronous>, transform_indices = @transform_8, window_bounds = array<i64: 1, 128>}, {pipeline_mode = #tpu.pipeline_mode<synchronous>, transform_indices = @transform_9, window_bounds = array<i64: 40, 128>}]} {
    %broadcast_in_dim3A = arith.constant 0.000000e+00 : bf16
    %broadcast_in_dim3A_0 = vector.broadcast %broadcast_in_dim3A : bf16 to vector<6x256xbf16>
    %iota3A = tpu.iota {dimensions = array<i32: 0>} : vector<256x256xi32>
    %get3A = arith.constant 0 : index
    %get3A_1 = arith.constant 0 : index
    %get3A_2 = arith.constant 0 : index
    %get3A_3 = vector.load %arg1[%get3A, %get3A_1, %get3A_2] : memref<8x512x128xf32, #tpu.memory_space<vmem>>, vector<1x256x128xf32>
    %get3A_4 = vector.shape_cast %get3A_3 : vector<1x256x128xf32> to vector<256x128xf32>
    %get3A_5 = arith.constant 0 : index
    %get3A_6 = arith.constant 256 : index
    %get3A_7 = arith.constant 0 : index
    %get3A_8 = vector.load %arg1[%get3A_5, %get3A_6, %get3A_7] : memref<8x512x128xf32, #tpu.memory_space<vmem>>, vector<1x256x128xf32>
    %get3A_9 = vector.shape_cast %get3A_8 : vector<1x256x128xf32> to vector<256x128xf32>
    %convert_element_type3A = arith.truncf %get3A_4 : vector<256x128xf32> to vector<256x128xbf16>
    %convert_element_type3A_10 = arith.truncf %get3A_9 : vector<256x128xf32> to vector<256x128xbf16>
    %concatenate3A = tpu.concatenate %convert_element_type3A, %convert_element_type3A_10 in 1 : vector<256x128xbf16>, vector<256x128xbf16> -> vector<256x256xbf16>
    %reduce_sum3A = arith.constant dense<0.000000e+00> : vector<256xf32>
    %reduce_sum3A_11 = vector.multi_reduction <add>, %get3A_4, %reduce_sum3A [1] : vector<256x128xf32> to vector<256xf32>
    %broadcast_in_dim3A_12 = vector.shape_cast %reduce_sum3A_11 : vector<256xf32> to vector<256x1xf32>
    %reduce_sum3A_13 = arith.constant dense<0.000000e+00> : vector<256xf32>
    %reduce_sum3A_14 = vector.multi_reduction <add>, %get3A_9, %reduce_sum3A_13 [1] : vector<256x128xf32> to vector<256xf32>
    %broadcast_in_dim3A_15 = vector.shape_cast %reduce_sum3A_14 : vector<256xf32> to vector<256x1xf32>
    %add3A = arith.addf %broadcast_in_dim3A_12, %broadcast_in_dim3A_15 : vector<256x1xf32>
    %max3A = arith.constant 1.000000e+00 : f32
    %max3A_16 = vector.broadcast %max3A : f32 to vector<256x1xf32>
    %max3A_17 = arith.maximumf %add3A, %max3A_16 : vector<256x1xf32>
    %div3A = arith.constant 1.000000e+00 : f32
    %div3A_18 = vector.broadcast %div3A : f32 to vector<256x1xf32>
    %div3A_19 = arith.divf %div3A_18, %max3A_17 : vector<256x1xf32>
    %get3A_20 = arith.constant 0 : index
    %get3A_21 = arith.constant 0 : index
    %get3A_22 = vector.load %arg2[%get3A_20, %get3A_21] : memref<2000x256xbf16, #tpu.memory_space<vmem>>, vector<250x256xbf16>
    %concatenate3A_23 = tpu.concatenate %get3A_22, %broadcast_in_dim3A_0 in 0 : vector<250x256xbf16>, vector<6x256xbf16> -> vector<256x256xbf16>
    %dot_general3A = arith.constant dense<0.000000e+00> : vector<256x256xf32>
    %dot_general3A_24 = tpu.matmul %concatenate3A, %concatenate3A_23, %dot_general3A {dimension_numbers = #tpu.dot_dimension_numbers<[1], [0], [0], [1], [0, 0, 1, 1], [], []>, transpose_lhs_hint = false} : vector<256x256xbf16>, vector<256x256xbf16>, vector<256x256xf32> -> vector<256x256xf32>
    %mul3A = vector.broadcast %div3A_19 : vector<256x1xf32> to vector<256x256xf32>
    %mul3A_25 = arith.mulf %dot_general3A_24, %mul3A : vector<256x256xf32>
    %get3A_26 = arith.constant 0 : index
    %get3A_27 = arith.constant 0 : index
    %get3A_28 = vector.load %arg4[%get3A_26, %get3A_27] : memref<1x256xf32, #tpu.memory_space<vmem>>, vector<1x256xf32>
    %add3A_29 = vector.broadcast %get3A_28 : vector<1x256xf32> to vector<256x256xf32>
    %add3A_30 = arith.addf %mul3A_25, %add3A_29 : vector<256x256xf32>
    %max3A_31 = arith.constant 0.000000e+00 : f32
    %max3A_32 = vector.broadcast %max3A_31 : f32 to vector<256x256xf32>
    %max3A_33 = arith.maximumf %add3A_30, %max3A_32 : vector<256x256xf32>
    %convert_element_type3A_34 = arith.truncf %max3A_33 : vector<256x256xf32> to vector<256x256xbf16>
    %get3A_35 = arith.constant 0 : index
    %get3A_36 = arith.constant 0 : index
    %get3A_37 = vector.load %arg3[%get3A_35, %get3A_36] : memref<256x256xf32, #tpu.memory_space<vmem>>, vector<256x256xf32>
    %dot_general3A_38 = arith.constant dense<0.000000e+00> : vector<256x256xf32>
    %dot_general3A_39 = tpu.matmul %convert_element_type3A_34, %get3A_37, %dot_general3A_38 {dimension_numbers = #tpu.dot_dimension_numbers<[1], [0], [0], [1], [0, 0, 1, 1], [], []>, transpose_lhs_hint = false} : vector<256x256xbf16>, vector<256x256xf32>, vector<256x256xf32> -> vector<256x256xf32>
    %convert_element_type3A_40 = arith.truncf %dot_general3A_39 : vector<256x256xf32> to vector<256x256xbf16>
    %dot_general3A_41 = arith.constant dense<0.000000e+00> : vector<256x256xf32>
    %dot_general3A_42 = tpu.matmul %concatenate3A, %convert_element_type3A_40, %dot_general3A_41 {dimension_numbers = #tpu.dot_dimension_numbers<[1], [0], [0], [1], [0, 0, 1, 1], [], []>, transpose_lhs_hint = false} : vector<256x256xbf16>, vector<256x256xbf16>, vector<256x256xf32> -> vector<256x256xf32>
    %mul3A_43 = vector.broadcast %div3A_19 : vector<256x1xf32> to vector<256x256xf32>
    %mul3A_44 = arith.mulf %dot_general3A_42, %mul3A_43 : vector<256x256xf32>
    %get3A_45 = arith.constant 0 : index
    %get3A_46 = arith.constant 0 : index
    %get3A_47 = vector.load %arg5[%get3A_45, %get3A_46] : memref<1x256xf32, #tpu.memory_space<vmem>>, vector<1x256xf32>
    %add3A_48 = vector.broadcast %get3A_47 : vector<1x256xf32> to vector<256x256xf32>
    %add3A_49 = arith.addf %mul3A_44, %add3A_48 : vector<256x256xf32>
    %max3A_50 = arith.constant 0.000000e+00 : f32
    %max3A_51 = vector.broadcast %max3A_50 : f32 to vector<256x256xf32>
    %max3A_52 = arith.maximumf %add3A_49, %max3A_51 : vector<256x256xf32>
    %lt3A = arith.constant 250 : i32
    %lt3A_53 = vector.broadcast %lt3A : i32 to vector<256x256xi32>
    %lt3A_54 = arith.cmpi slt, %iota3A, %lt3A_53 : vector<256x256xi32>
    %jit3A = arith.constant -1.000000e+09 : f32
    %broadcast_in_dim3A_55 = vector.broadcast %jit3A : f32 to vector<256x256xf32>
    %select_n3A = arith.select %lt3A_54, %max3A_52, %broadcast_in_dim3A_55 : vector<256x256xi1>, vector<256x256xf32>
    %reduce_max3A = arith.constant dense<0xFF800000> : vector<256xf32>
    %reduce_max3A_56 = vector.multi_reduction <maximumf>, %select_n3A, %reduce_max3A [0] : vector<256x256xf32> to vector<256xf32>
    %broadcast_in_dim3A_57 = vector.shape_cast %reduce_max3A_56 : vector<256xf32> to vector<1x256xf32>
    %mul3A_58 = arith.constant 8 : i32
    %mul3A_59 = arith.muli %arg0, %mul3A_58 : i32
    %add3A_60 = arith.constant 0 : i32
    %add3A_61 = arith.addi %mul3A_59, %add3A_60 : i32
    %swap3A = arith.index_cast %add3A_61 : i32 to index
    %swap3A_62 = arith.constant 0 : index
    %swap3A_63 = vector.load %arg11[%swap3A, %swap3A_62] : memref<40x256xf32, #tpu.memory_space<vmem>>, vector<1x256xf32>
    tpu.vector_store %arg11[%swap3A, %swap3A_62], %broadcast_in_dim3A_57 {strides = array<i32>} : memref<40x256xf32, #tpu.memory_space<vmem>>, vector<1x256xf32>,
    %get3A_64 = arith.constant 1 : index
    %get3A_65 = arith.constant 0 : index
    %get3A_66 = arith.constant 0 : index
    %get3A_67 = vector.load %arg1[%get3A_64, %get3A_65, %get3A_66] : memref<8x512x128xf32, #tpu.memory_space<vmem>>, vector<1x256x128xf32>
    %get3A_68 = vector.shape_cast %get3A_67 : vector<1x256x128xf32> to vector<256x128xf32>
    %get3A_69 = arith.constant 1 : index
    %get3A_70 = arith.constant 256 : index
    %get3A_71 = arith.constant 0 : index
    %get3A_72 = vector.load %arg1[%get3A_69, %get3A_70, %get3A_71] : memref<8x512x128xf32, #tpu.memory_space<vmem>>, vector<1x256x128xf32>
    %get3A_73 = vector.shape_cast %get3A_72 : vector<1x256x128xf32> to vector<256x128xf32>
    %convert_element_type3A_74 = arith.truncf %get3A_68 : vector<256x128xf32> to vector<256x128xbf16>
    %convert_element_type3A_75 = arith.truncf %get3A_73 : vector<256x128xf32> to vector<256x128xbf16>
    %concatenate3A_76 = tpu.concatenate %convert_element_type3A_74, %convert_element_type3A_75 in 1 : vector<256x128xbf16>, vector<256x128xbf16> -> vector<256x256xbf16>
    %reduce_sum3A_77 = arith.constant dense<0.000000e+00> : vector<256xf32>
    %reduce_sum3A_78 = vector.multi_reduction <add>, %get3A_68, %reduce_sum3A_77 [1] : vector<256x128xf32> to vector<256xf32>
    %broadcast_in_dim3A_79 = vector.shape_cast %reduce_sum3A_78 : vector<256xf32> to vector<256x1xf32>
    %reduce_sum3A_80 = arith.constant dense<0.000000e+00> : vector<256xf32>
    %reduce_sum3A_81 = vector.multi_reduction <add>, %get3A_73, %reduce_sum3A_80 [1] : vector<256x128xf32> to vector<256xf32>
    %broadcast_in_dim3A_82 = vector.shape_cast %reduce_sum3A_81 : vector<256xf32> to vector<256x1xf32>
    %add3A_83 = arith.addf %broadcast_in_dim3A_79, %broadcast_in_dim3A_82 : vector<256x1xf32>
    %max3A_84 = arith.constant 1.000000e+00 : f32
    %max3A_85 = vector.broadcast %max3A_84 : f32 to vector<256x1xf32>
    %max3A_86 = arith.maximumf %add3A_83, %max3A_85 : vector<256x1xf32>
    %div3A_87 = arith.constant 1.000000e+00 : f32
    %div3A_88 = vector.broadcast %div3A_87 : f32 to vector<256x1xf32>
    %div3A_89 = arith.divf %div3A_88, %max3A_86 : vector<256x1xf32>
    %get3A_90 = arith.constant 250 : index
    %get3A_91 = arith.constant 0 : index
    %get3A_92 = vector.load %arg2[%get3A_90, %get3A_91] : memref<2000x256xbf16, #tpu.memory_space<vmem>>, vector<250x256xbf16>
    %concatenate3A_93 = tpu.concatenate %get3A_92, %broadcast_in_dim3A_0 in 0 : vector<250x256xbf16>, vector<6x256xbf16> -> vector<256x256xbf16>
    %dot_general3A_94 = arith.constant dense<0.000000e+00> : vector<256x256xf32>
    %dot_general3A_95 = tpu.matmul %concatenate3A_76, %concatenate3A_93, %dot_general3A_94 {dimension_numbers = #tpu.dot_dimension_numbers<[1], [0], [0], [1], [0, 0, 1, 1], [], []>, transpose_lhs_hint = false} : vector<256x256xbf16>, vector<256x256xbf16>, vector<256x256xf32> -> vector<256x256xf32>
    %mul3A_96 = vector.broadcast %div3A_89 : vector<256x1xf32> to vector<256x256xf32>
    %mul3A_97 = arith.mulf %dot_general3A_95, %mul3A_96 : vector<256x256xf32>
    %get3A_98 = arith.constant 0 : index
    %get3A_99 = arith.constant 0 : index
    %get3A_100 = vector.load %arg4[%get3A_98, %get3A_99] : memref<1x256xf32, #tpu.memory_space<vmem>>, vector<1x256xf32>
    %add3A_101 = vector.broadcast %get3A_100 : vector<1x256xf32> to vector<256x256xf32>
    %add3A_102 = arith.addf %mul3A_97, %add3A_101 : vector<256x256xf32>
    %max3A_103 = arith.constant 0.000000e+00 : f32
    %max3A_104 = vector.broadcast %max3A_103 : f32 to vector<256x256xf32>
    %max3A_105 = arith.maximumf %add3A_102, %max3A_104 : vector<256x256xf32>
    %convert_element_type3A_106 = arith.truncf %max3A_105 : vector<256x256xf32> to vector<256x256xbf16>
    %get3A_107 = arith.constant 0 : index
    %get3A_108 = arith.constant 0 : index
    %get3A_109 = vector.load %arg3[%get3A_107, %get3A_108] : memref<256x256xf32, #tpu.memory_space<vmem>>, vector<256x256xf32>
    %dot_general3A_110 = arith.constant dense<0.000000e+00> : vector<256x256xf32>
    %dot_general3A_111 = tpu.matmul %convert_element_type3A_106, %get3A_109, %dot_general3A_110 {dimension_numbers = #tpu.dot_dimension_numbers<[1], [0], [0], [1], [0, 0, 1, 1], [], []>, transpose_lhs_hint = false} : vector<256x256xbf16>, vector<256x256xf32>, vector<256x256xf32> -> vector<256x256xf32>
    %convert_element_type3A_112 = arith.truncf %dot_general3A_111 : vector<256x256xf32> to vector<256x256xbf16>
    %dot_general3A_113 = arith.constant dense<0.000000e+00> : vector<256x256xf32>
    %dot_general3A_114 = tpu.matmul %concatenate3A_76, %convert_element_type3A_112, %dot_general3A_113 {dimension_numbers = #tpu.dot_dimension_numbers<[1], [0], [0], [1], [0, 0, 1, 1], [], []>, transpose_lhs_hint = false} : vector<256x256xbf16>, vector<256x256xbf16>, vector<256x256xf32> -> vector<256x256xf32>
    %mul3A_115 = vector.broadcast %div3A_89 : vector<256x1xf32> to vector<256x256xf32>
    %mul3A_116 = arith.mulf %dot_general3A_114, %mul3A_115 : vector<256x256xf32>
    %get3A_117 = arith.constant 0 : index
    %get3A_118 = arith.constant 0 : index
    %get3A_119 = vector.load %arg5[%get3A_117, %get3A_118] : memref<1x256xf32, #tpu.memory_space<vmem>>, vector<1x256xf32>
    %add3A_120 = vector.broadcast %get3A_119 : vector<1x256xf32> to vector<256x256xf32>
    %add3A_121 = arith.addf %mul3A_116, %add3A_120 : vector<256x256xf32>
    %max3A_122 = arith.constant 0.000000e+00 : f32
    %max3A_123 = vector.broadcast %max3A_122 : f32 to vector<256x256xf32>
    %max3A_124 = arith.maximumf %add3A_121, %max3A_123 : vector<256x256xf32>
    %lt3A_125 = arith.constant 250 : i32
    %lt3A_126 = vector.broadcast %lt3A_125 : i32 to vector<256x256xi32>
    %lt3A_127 = arith.cmpi slt, %iota3A, %lt3A_126 : vector<256x256xi32>
    %jit3A_128 = arith.constant -1.000000e+09 : f32
    %broadcast_in_dim3A_129 = vector.broadcast %jit3A_128 : f32 to vector<256x256xf32>
    %select_n3A_130 = arith.select %lt3A_127, %max3A_124, %broadcast_in_dim3A_129 : vector<256x256xi1>, vector<256x256xf32>
    %reduce_max3A_131 = arith.constant dense<0xFF800000> : vector<256xf32>
    %reduce_max3A_132 = vector.multi_reduction <maximumf>, %select_n3A_130, %reduce_max3A_131 [0] : vector<256x256xf32> to vector<256xf32>
    %broadcast_in_dim3A_133 = vector.shape_cast %reduce_max3A_132 : vector<256xf32> to vector<1x256xf32>
    %mul3A_134 = arith.constant 8 : i32
    %mul3A_135 = arith.muli %arg0, %mul3A_134 : i32
    %add3A_136 = arith.constant 1 : i32
    %add3A_137 = arith.addi %mul3A_135, %add3A_136 : i32
    %swap3A_138 = arith.index_cast %add3A_137 : i32 to index
    %swap3A_139 = arith.constant 0 : index
    %swap3A_140 = vector.load %arg11[%swap3A_138, %swap3A_139] : memref<40x256xf32, #tpu.memory_space<vmem>>, vector<1x256xf32>
    tpu.vector_store %arg11[%swap3A_138, %swap3A_139], %broadcast_in_dim3A_133 {strides = array<i32>} : memref<40x256xf32, #tpu.memory_space<vmem>>, vector<1x256xf32>,
    %get3A_141 = arith.constant 2 : index
    %get3A_142 = arith.constant 0 : index
    %get3A_143 = arith.constant 0 : index
    %get3A_144 = vector.load %arg1[%get3A_141, %get3A_142, %get3A_143] : memref<8x512x128xf32, #tpu.memory_space<vmem>>, vector<1x256x128xf32>
    %get3A_145 = vector.shape_cast %get3A_144 : vector<1x256x128xf32> to vector<256x128xf32>
    %get3A_146 = arith.constant 2 : index
    %get3A_147 = arith.constant 256 : index
    %get3A_148 = arith.constant 0 : index
    %get3A_149 = vector.load %arg1[%get3A_146, %get3A_147, %get3A_148] : memref<8x512x128xf32, #tpu.memory_space<vmem>>, vector<1x256x128xf32>
    %get3A_150 = vector.shape_cast %get3A_149 : vector<1x256x128xf32> to vector<256x128xf32>
    %convert_element_type3A_151 = arith.truncf %get3A_145 : vector<256x128xf32> to vector<256x128xbf16>
    %convert_element_type3A_152 = arith.truncf %get3A_150 : vector<256x128xf32> to vector<256x128xbf16>
    %concatenate3A_153 = tpu.concatenate %convert_element_type3A_151, %convert_element_type3A_152 in 1 : vector<256x128xbf16>, vector<256x128xbf16> -> vector<256x256xbf16>
    %reduce_sum3A_154 = arith.constant dense<0.000000e+00> : vector<256xf32>
    %reduce_sum3A_155 = vector.multi_reduction <add>, %get3A_145, %reduce_sum3A_154 [1] : vector<256x128xf32> to vector<256xf32>
    %broadcast_in_dim3A_156 = vector.shape_cast %reduce_sum3A_155 : vector<256xf32> to vector<256x1xf32>
    %reduce_sum3A_157 = arith.constant dense<0.000000e+00> : vector<256xf32>
    %reduce_sum3A_158 = vector.multi_reduction <add>, %get3A_150, %reduce_sum3A_157 [1] : vector<256x128xf32> to vector<256xf32>
    %broadcast_in_dim3A_159 = vector.shape_cast %reduce_sum3A_158 : vector<256xf32> to vector<256x1xf32>
    %add3A_160 = arith.addf %broadcast_in_dim3A_156, %broadcast_in_dim3A_159 : vector<256x1xf32>
    %max3A_161 = arith.constant 1.000000e+00 : f32
    %max3A_162 = vector.broadcast %max3A_161 : f32 to vector<256x1xf32>
    %max3A_163 = arith.maximumf %add3A_160, %max3A_162 : vector<256x1xf32>
    %div3A_164 = arith.constant 1.000000e+00 : f32
    %div3A_165 = vector.broadcast %div3A_164 : f32 to vector<256x1xf32>
    %div3A_166 = arith.divf %div3A_165, %max3A_163 : vector<256x1xf32>
    %get3A_167 = arith.constant 500 : index
    %get3A_168 = arith.constant 0 : index
    %get3A_169 = vector.load %arg2[%get3A_167, %get3A_168] : memref<2000x256xbf16, #tpu.memory_space<vmem>>, vector<250x256xbf16>
    %concatenate3A_170 = tpu.concatenate %get3A_169, %broadcast_in_dim3A_0 in 0 : vector<250x256xbf16>, vector<6x256xbf16> -> vector<256x256xbf16>
    %dot_general3A_171 = arith.constant dense<0.000000e+00> : vector<256x256xf32>
    %dot_general3A_172 = tpu.matmul %concatenate3A_153, %concatenate3A_170, %dot_general3A_171 {dimension_numbers = #tpu.dot_dimension_numbers<[1], [0], [0], [1], [0, 0, 1, 1], [], []>, transpose_lhs_hint = false} : vector<256x256xbf16>, vector<256x256xbf16>, vector<256x256xf32> -> vector<256x256xf32>
    %mul3A_173 = vector.broadcast %div3A_166 : vector<256x1xf32> to vector<256x256xf32>
    %mul3A_174 = arith.mulf %dot_general3A_172, %mul3A_173 : vector<256x256xf32>
    %get3A_175 = arith.constant 0 : index
    %get3A_176 = arith.constant 0 : index
    %get3A_177 = vector.load %arg4[%get3A_175, %get3A_176] : memref<1x256xf32, #tpu.memory_space<vmem>>, vector<1x256xf32>
    %add3A_178 = vector.broadcast %get3A_177 : vector<1x256xf32> to vector<256x256xf32>
    %add3A_179 = arith.addf %mul3A_174, %add3A_178 : vector<256x256xf32>
    %max3A_180 = arith.constant 0.000000e+00 : f32
    %max3A_181 = vector.broadcast %max3A_180 : f32 to vector<256x256xf32>
    %max3A_182 = arith.maximumf %add3A_179, %max3A_181 : vector<256x256xf32>
    %convert_element_type3A_183 = arith.truncf %max3A_182 : vector<256x256xf32> to vector<256x256xbf16>
    %get3A_184 = arith.constant 0 : index
    %get3A_185 = arith.constant 0 : index
    %get3A_186 = vector.load %arg3[%get3A_184, %get3A_185] : memref<256x256xf32, #tpu.memory_space<vmem>>, vector<256x256xf32>
    %dot_general3A_187 = arith.constant dense<0.000000e+00> : vector<256x256xf32>
    %dot_general3A_188 = tpu.matmul %convert_element_type3A_183, %get3A_186, %dot_general3A_187 {dimension_numbers = #tpu.dot_dimension_numbers<[1], [0], [0], [1], [0, 0, 1, 1], [], []>, transpose_lhs_hint = false} : vector<256x256xbf16>, vector<256x256xf32>, vector<256x256xf32> -> vector<256x256xf32>
    %convert_element_type3A_189 = arith.truncf %dot_general3A_188 : vector<256x256xf32> to vector<256x256xbf16>
    %dot_general3A_190 = arith.constant dense<0.000000e+00> : vector<256x256xf32>
    %dot_general3A_191 = tpu.matmul %concatenate3A_153, %convert_element_type3A_189, %dot_general3A_190 {dimension_numbers = #tpu.dot_dimension_numbers<[1], [0], [0], [1], [0, 0, 1, 1], [], []>, transpose_lhs_hint = false} : vector<256x256xbf16>, vector<256x256xbf16>, vector<256x256xf32> -> vector<256x256xf32>
    %mul3A_192 = vector.broadcast %div3A_166 : vector<256x1xf32> to vector<256x256xf32>
    %mul3A_193 = arith.mulf %dot_general3A_191, %mul3A_192 : vector<256x256xf32>
    %get3A_194 = arith.constant 0 : index
    %get3A_195 = arith.constant 0 : index
    %get3A_196 = vector.load %arg5[%get3A_194, %get3A_195] : memref<1x256xf32, #tpu.memory_space<vmem>>, vector<1x256xf32>
    %add3A_197 = vector.broadcast %get3A_196 : vector<1x256xf32> to vector<256x256xf32>
    %add3A_198 = arith.addf %mul3A_193, %add3A_197 : vector<256x256xf32>
    %max3A_199 = arith.constant 0.000000e+00 : f32
    %max3A_200 = vector.broadcast %max3A_199 : f32 to vector<256x256xf32>
    %max3A_201 = arith.maximumf %add3A_198, %max3A_200 : vector<256x256xf32>
    %lt3A_202 = arith.constant 250 : i32
    %lt3A_203 = vector.broadcast %lt3A_202 : i32 to vector<256x256xi32>
    %lt3A_204 = arith.cmpi slt, %iota3A, %lt3A_203 : vector<256x256xi32>
    %jit3A_205 = arith.constant -1.000000e+09 : f32
    %broadcast_in_dim3A_206 = vector.broadcast %jit3A_205 : f32 to vector<256x256xf32>
    %select_n3A_207 = arith.select %lt3A_204, %max3A_201, %broadcast_in_dim3A_206 : vector<256x256xi1>, vector<256x256xf32>
    %reduce_max3A_208 = arith.constant dense<0xFF800000> : vector<256xf32>
    %reduce_max3A_209 = vector.multi_reduction <maximumf>, %select_n3A_207, %reduce_max3A_208 [0] : vector<256x256xf32> to vector<256xf32>
    %broadcast_in_dim3A_210 = vector.shape_cast %reduce_max3A_209 : vector<256xf32> to vector<1x256xf32>
    %mul3A_211 = arith.constant 8 : i32
    %mul3A_212 = arith.muli %arg0, %mul3A_211 : i32
    %add3A_213 = arith.constant 2 : i32
    %add3A_214 = arith.addi %mul3A_212, %add3A_213 : i32
    %swap3A_215 = arith.index_cast %add3A_214 : i32 to index
    %swap3A_216 = arith.constant 0 : index
    %swap3A_217 = vector.load %arg11[%swap3A_215, %swap3A_216] : memref<40x256xf32, #tpu.memory_space<vmem>>, vector<1x256xf32>
    tpu.vector_store %arg11[%swap3A_215, %swap3A_216], %broadcast_in_dim3A_210 {strides = array<i32>} : memref<40x256xf32, #tpu.memory_space<vmem>>, vector<1x256xf32>,
    %get3A_218 = arith.constant 3 : index
    %get3A_219 = arith.constant 0 : index
    %get3A_220 = arith.constant 0 : index
    %get3A_221 = vector.load %arg1[%get3A_218, %get3A_219, %get3A_220] : memref<8x512x128xf32, #tpu.memory_space<vmem>>, vector<1x256x128xf32>
    %get3A_222 = vector.shape_cast %get3A_221 : vector<1x256x128xf32> to vector<256x128xf32>
    %get3A_223 = arith.constant 3 : index
    %get3A_224 = arith.constant 256 : index
    %get3A_225 = arith.constant 0 : index
    %get3A_226 = vector.load %arg1[%get3A_223, %get3A_224, %get3A_225] : memref<8x512x128xf32, #tpu.memory_space<vmem>>, vector<1x256x128xf32>
    %get3A_227 = vector.shape_cast %get3A_226 : vector<1x256x128xf32> to vector<256x128xf32>
    %convert_element_type3A_228 = arith.truncf %get3A_222 : vector<256x128xf32> to vector<256x128xbf16>
    %convert_element_type3A_229 = arith.truncf %get3A_227 : vector<256x128xf32> to vector<256x128xbf16>
    %concatenate3A_230 = tpu.concatenate %convert_element_type3A_228, %convert_element_type3A_229 in 1 : vector<256x128xbf16>, vector<256x128xbf16> -> vector<256x256xbf16>
    %reduce_sum3A_231 = arith.constant dense<0.000000e+00> : vector<256xf32>
    %reduce_sum3A_232 = vector.multi_reduction <add>, %get3A_222, %reduce_sum3A_231 [1] : vector<256x128xf32> to vector<256xf32>
    %broadcast_in_dim3A_233 = vector.shape_cast %reduce_sum3A_232 : vector<256xf32> to vector<256x1xf32>
    %reduce_sum3A_234 = arith.constant dense<0.000000e+00> : vector<256xf32>
    %reduce_sum3A_235 = vector.multi_reduction <add>, %get3A_227, %reduce_sum3A_234 [1] : vector<256x128xf32> to vector<256xf32>
    %broadcast_in_dim3A_236 = vector.shape_cast %reduce_sum3A_235 : vector<256xf32> to vector<256x1xf32>
    %add3A_237 = arith.addf %broadcast_in_dim3A_233, %broadcast_in_dim3A_236 : vector<256x1xf32>
    %max3A_238 = arith.constant 1.000000e+00 : f32
    %max3A_239 = vector.broadcast %max3A_238 : f32 to vector<256x1xf32>
    %max3A_240 = arith.maximumf %add3A_237, %max3A_239 : vector<256x1xf32>
    %div3A_241 = arith.constant 1.000000e+00 : f32
    %div3A_242 = vector.broadcast %div3A_241 : f32 to vector<256x1xf32>
    %div3A_243 = arith.divf %div3A_242, %max3A_240 : vector<256x1xf32>
    %get3A_244 = arith.constant 750 : index
    %get3A_245 = arith.constant 0 : index
    %get3A_246 = vector.load %arg2[%get3A_244, %get3A_245] : memref<2000x256xbf16, #tpu.memory_space<vmem>>, vector<250x256xbf16>
    %concatenate3A_247 = tpu.concatenate %get3A_246, %broadcast_in_dim3A_0 in 0 : vector<250x256xbf16>, vector<6x256xbf16> -> vector<256x256xbf16>
    %dot_general3A_248 = arith.constant dense<0.000000e+00> : vector<256x256xf32>
    %dot_general3A_249 = tpu.matmul %concatenate3A_230, %concatenate3A_247, %dot_general3A_248 {dimension_numbers = #tpu.dot_dimension_numbers<[1], [0], [0], [1], [0, 0, 1, 1], [], []>, transpose_lhs_hint = false} : vector<256x256xbf16>, vector<256x256xbf16>, vector<256x256xf32> -> vector<256x256xf32>
    %mul3A_250 = vector.broadcast %div3A_243 : vector<256x1xf32> to vector<256x256xf32>
    %mul3A_251 = arith.mulf %dot_general3A_249, %mul3A_250 : vector<256x256xf32>
    %get3A_252 = arith.constant 0 : index
    %get3A_253 = arith.constant 0 : index
    %get3A_254 = vector.load %arg4[%get3A_252, %get3A_253] : memref<1x256xf32, #tpu.memory_space<vmem>>, vector<1x256xf32>
    %add3A_255 = vector.broadcast %get3A_254 : vector<1x256xf32> to vector<256x256xf32>
    %add3A_256 = arith.addf %mul3A_251, %add3A_255 : vector<256x256xf32>
    %max3A_257 = arith.constant 0.000000e+00 : f32
    %max3A_258 = vector.broadcast %max3A_257 : f32 to vector<256x256xf32>
    %max3A_259 = arith.maximumf %add3A_256, %max3A_258 : vector<256x256xf32>
    %convert_element_type3A_260 = arith.truncf %max3A_259 : vector<256x256xf32> to vector<256x256xbf16>
    %get3A_261 = arith.constant 0 : index
    %get3A_262 = arith.constant 0 : index
    %get3A_263 = vector.load %arg3[%get3A_261, %get3A_262] : memref<256x256xf32, #tpu.memory_space<vmem>>, vector<256x256xf32>
    %dot_general3A_264 = arith.constant dense<0.000000e+00> : vector<256x256xf32>
    %dot_general3A_265 = tpu.matmul %convert_element_type3A_260, %get3A_263, %dot_general3A_264 {dimension_numbers = #tpu.dot_dimension_numbers<[1], [0], [0], [1], [0, 0, 1, 1], [], []>, transpose_lhs_hint = false} : vector<256x256xbf16>, vector<256x256xf32>, vector<256x256xf32> -> vector<256x256xf32>
    %convert_element_type3A_266 = arith.truncf %dot_general3A_265 : vector<256x256xf32> to vector<256x256xbf16>
    %dot_general3A_267 = arith.constant dense<0.000000e+00> : vector<256x256xf32>
    %dot_general3A_268 = tpu.matmul %concatenate3A_230, %convert_element_type3A_266, %dot_general3A_267 {dimension_numbers = #tpu.dot_dimension_numbers<[1], [0], [0], [1], [0, 0, 1, 1], [], []>, transpose_lhs_hint = false} : vector<256x256xbf16>, vector<256x256xbf16>, vector<256x256xf32> -> vector<256x256xf32>
    %mul3A_269 = vector.broadcast %div3A_243 : vector<256x1xf32> to vector<256x256xf32>
    %mul3A_270 = arith.mulf %dot_general3A_268, %mul3A_269 : vector<256x256xf32>
    %get3A_271 = arith.constant 0 : index
    %get3A_272 = arith.constant 0 : index
    %get3A_273 = vector.load %arg5[%get3A_271, %get3A_272] : memref<1x256xf32, #tpu.memory_space<vmem>>, vector<1x256xf32>
    %add3A_274 = vector.broadcast %get3A_273 : vector<1x256xf32> to vector<256x256xf32>
    %add3A_275 = arith.addf %mul3A_270, %add3A_274 : vector<256x256xf32>
    %max3A_276 = arith.constant 0.000000e+00 : f32
    %max3A_277 = vector.broadcast %max3A_276 : f32 to vector<256x256xf32>
    %max3A_278 = arith.maximumf %add3A_275, %max3A_277 : vector<256x256xf32>
    %lt3A_279 = arith.constant 250 : i32
    %lt3A_280 = vector.broadcast %lt3A_279 : i32 to vector<256x256xi32>
    %lt3A_281 = arith.cmpi slt, %iota3A, %lt3A_280 : vector<256x256xi32>
    %jit3A_282 = arith.constant -1.000000e+09 : f32
    %broadcast_in_dim3A_283 = vector.broadcast %jit3A_282 : f32 to vector<256x256xf32>
    %select_n3A_284 = arith.select %lt3A_281, %max3A_278, %broadcast_in_dim3A_283 : vector<256x256xi1>, vector<256x256xf32>
    %reduce_max3A_285 = arith.constant dense<0xFF800000> : vector<256xf32>
    %reduce_max3A_286 = vector.multi_reduction <maximumf>, %select_n3A_284, %reduce_max3A_285 [0] : vector<256x256xf32> to vector<256xf32>
    %broadcast_in_dim3A_287 = vector.shape_cast %reduce_max3A_286 : vector<256xf32> to vector<1x256xf32>
    %mul3A_288 = arith.constant 8 : i32
    %mul3A_289 = arith.muli %arg0, %mul3A_288 : i32
    %add3A_290 = arith.constant 3 : i32
    %add3A_291 = arith.addi %mul3A_289, %add3A_290 : i32
    %swap3A_292 = arith.index_cast %add3A_291 : i32 to index
    %swap3A_293 = arith.constant 0 : index
    %swap3A_294 = vector.load %arg11[%swap3A_292, %swap3A_293] : memref<40x256xf32, #tpu.memory_space<vmem>>, vector<1x256xf32>
    tpu.vector_store %arg11[%swap3A_292, %swap3A_293], %broadcast_in_dim3A_287 {strides = array<i32>} : memref<40x256xf32, #tpu.memory_space<vmem>>, vector<1x256xf32>,
    %get3A_295 = arith.constant 4 : index
    %get3A_296 = arith.constant 0 : index
    %get3A_297 = arith.constant 0 : index
    %get3A_298 = vector.load %arg1[%get3A_295, %get3A_296, %get3A_297] : memref<8x512x128xf32, #tpu.memory_space<vmem>>, vector<1x256x128xf32>
    %get3A_299 = vector.shape_cast %get3A_298 : vector<1x256x128xf32> to vector<256x128xf32>
    %get3A_300 = arith.constant 4 : index
    %get3A_301 = arith.constant 256 : index
    %get3A_302 = arith.constant 0 : index
    %get3A_303 = vector.load %arg1[%get3A_300, %get3A_301, %get3A_302] : memref<8x512x128xf32, #tpu.memory_space<vmem>>, vector<1x256x128xf32>
    %get3A_304 = vector.shape_cast %get3A_303 : vector<1x256x128xf32> to vector<256x128xf32>
    %convert_element_type3A_305 = arith.truncf %get3A_299 : vector<256x128xf32> to vector<256x128xbf16>
    %convert_element_type3A_306 = arith.truncf %get3A_304 : vector<256x128xf32> to vector<256x128xbf16>
    %concatenate3A_307 = tpu.concatenate %convert_element_type3A_305, %convert_element_type3A_306 in 1 : vector<256x128xbf16>, vector<256x128xbf16> -> vector<256x256xbf16>
    %reduce_sum3A_308 = arith.constant dense<0.000000e+00> : vector<256xf32>
    %reduce_sum3A_309 = vector.multi_reduction <add>, %get3A_299, %reduce_sum3A_308 [1] : vector<256x128xf32> to vector<256xf32>
    %broadcast_in_dim3A_310 = vector.shape_cast %reduce_sum3A_309 : vector<256xf32> to vector<256x1xf32>
    %reduce_sum3A_311 = arith.constant dense<0.000000e+00> : vector<256xf32>
    %reduce_sum3A_312 = vector.multi_reduction <add>, %get3A_304, %reduce_sum3A_311 [1] : vector<256x128xf32> to vector<256xf32>
    %broadcast_in_dim3A_313 = vector.shape_cast %reduce_sum3A_312 : vector<256xf32> to vector<256x1xf32>
    %add3A_314 = arith.addf %broadcast_in_dim3A_310, %broadcast_in_dim3A_313 : vector<256x1xf32>
    %max3A_315 = arith.constant 1.000000e+00 : f32
    %max3A_316 = vector.broadcast %max3A_315 : f32 to vector<256x1xf32>
    %max3A_317 = arith.maximumf %add3A_314, %max3A_316 : vector<256x1xf32>
    %div3A_318 = arith.constant 1.000000e+00 : f32
    %div3A_319 = vector.broadcast %div3A_318 : f32 to vector<256x1xf32>
    %div3A_320 = arith.divf %div3A_319, %max3A_317 : vector<256x1xf32>
    %get3A_321 = arith.constant 1000 : index
    %get3A_322 = arith.constant 0 : index
    %get3A_323 = vector.load %arg2[%get3A_321, %get3A_322] : memref<2000x256xbf16, #tpu.memory_space<vmem>>, vector<250x256xbf16>
    %concatenate3A_324 = tpu.concatenate %get3A_323, %broadcast_in_dim3A_0 in 0 : vector<250x256xbf16>, vector<6x256xbf16> -> vector<256x256xbf16>
    %dot_general3A_325 = arith.constant dense<0.000000e+00> : vector<256x256xf32>
    %dot_general3A_326 = tpu.matmul %concatenate3A_307, %concatenate3A_324, %dot_general3A_325 {dimension_numbers = #tpu.dot_dimension_numbers<[1], [0], [0], [1], [0, 0, 1, 1], [], []>, transpose_lhs_hint = false} : vector<256x256xbf16>, vector<256x256xbf16>, vector<256x256xf32> -> vector<256x256xf32>
    %mul3A_327 = vector.broadcast %div3A_320 : vector<256x1xf32> to vector<256x256xf32>
    %mul3A_328 = arith.mulf %dot_general3A_326, %mul3A_327 : vector<256x256xf32>
    %get3A_329 = arith.constant 0 : index
    %get3A_330 = arith.constant 0 : index
    %get3A_331 = vector.load %arg4[%get3A_329, %get3A_330] : memref<1x256xf32, #tpu.memory_space<vmem>>, vector<1x256xf32>
    %add3A_332 = vector.broadcast %get3A_331 : vector<1x256xf32> to vector<256x256xf32>
    %add3A_333 = arith.addf %mul3A_328, %add3A_332 : vector<256x256xf32>
    %max3A_334 = arith.constant 0.000000e+00 : f32
    %max3A_335 = vector.broadcast %max3A_334 : f32 to vector<256x256xf32>
    %max3A_336 = arith.maximumf %add3A_333, %max3A_335 : vector<256x256xf32>
    %convert_element_type3A_337 = arith.truncf %max3A_336 : vector<256x256xf32> to vector<256x256xbf16>
    %get3A_338 = arith.constant 0 : index
    %get3A_339 = arith.constant 0 : index
    %get3A_340 = vector.load %arg3[%get3A_338, %get3A_339] : memref<256x256xf32, #tpu.memory_space<vmem>>, vector<256x256xf32>
    %dot_general3A_341 = arith.constant dense<0.000000e+00> : vector<256x256xf32>
    %dot_general3A_342 = tpu.matmul %convert_element_type3A_337, %get3A_340, %dot_general3A_341 {dimension_numbers = #tpu.dot_dimension_numbers<[1], [0], [0], [1], [0, 0, 1, 1], [], []>, transpose_lhs_hint = false} : vector<256x256xbf16>, vector<256x256xf32>, vector<256x256xf32> -> vector<256x256xf32>
    %convert_element_type3A_343 = arith.truncf %dot_general3A_342 : vector<256x256xf32> to vector<256x256xbf16>
    %dot_general3A_344 = arith.constant dense<0.000000e+00> : vector<256x256xf32>
    %dot_general3A_345 = tpu.matmul %concatenate3A_307, %convert_element_type3A_343, %dot_general3A_344 {dimension_numbers = #tpu.dot_dimension_numbers<[1], [0], [0], [1], [0, 0, 1, 1], [], []>, transpose_lhs_hint = false} : vector<256x256xbf16>, vector<256x256xbf16>, vector<256x256xf32> -> vector<256x256xf32>
    %mul3A_346 = vector.broadcast %div3A_320 : vector<256x1xf32> to vector<256x256xf32>
    %mul3A_347 = arith.mulf %dot_general3A_345, %mul3A_346 : vector<256x256xf32>
    %get3A_348 = arith.constant 0 : index
    %get3A_349 = arith.constant 0 : index
    %get3A_350 = vector.load %arg5[%get3A_348, %get3A_349] : memref<1x256xf32, #tpu.memory_space<vmem>>, vector<1x256xf32>
    %add3A_351 = vector.broadcast %get3A_350 : vector<1x256xf32> to vector<256x256xf32>
    %add3A_352 = arith.addf %mul3A_347, %add3A_351 : vector<256x256xf32>
    %max3A_353 = arith.constant 0.000000e+00 : f32
    %max3A_354 = vector.broadcast %max3A_353 : f32 to vector<256x256xf32>
    %max3A_355 = arith.maximumf %add3A_352, %max3A_354 : vector<256x256xf32>
    %lt3A_356 = arith.constant 250 : i32
    %lt3A_357 = vector.broadcast %lt3A_356 : i32 to vector<256x256xi32>
    %lt3A_358 = arith.cmpi slt, %iota3A, %lt3A_357 : vector<256x256xi32>
    %jit3A_359 = arith.constant -1.000000e+09 : f32
    %broadcast_in_dim3A_360 = vector.broadcast %jit3A_359 : f32 to vector<256x256xf32>
    %select_n3A_361 = arith.select %lt3A_358, %max3A_355, %broadcast_in_dim3A_360 : vector<256x256xi1>, vector<256x256xf32>
    %reduce_max3A_362 = arith.constant dense<0xFF800000> : vector<256xf32>
    %reduce_max3A_363 = vector.multi_reduction <maximumf>, %select_n3A_361, %reduce_max3A_362 [0] : vector<256x256xf32> to vector<256xf32>
    %broadcast_in_dim3A_364 = vector.shape_cast %reduce_max3A_363 : vector<256xf32> to vector<1x256xf32>
    %mul3A_365 = arith.constant 8 : i32
    %mul3A_366 = arith.muli %arg0, %mul3A_365 : i32
    %add3A_367 = arith.constant 4 : i32
    %add3A_368 = arith.addi %mul3A_366, %add3A_367 : i32
    %swap3A_369 = arith.index_cast %add3A_368 : i32 to index
    %swap3A_370 = arith.constant 0 : index
    %swap3A_371 = vector.load %arg11[%swap3A_369, %swap3A_370] : memref<40x256xf32, #tpu.memory_space<vmem>>, vector<1x256xf32>
    tpu.vector_store %arg11[%swap3A_369, %swap3A_370], %broadcast_in_dim3A_364 {strides = array<i32>} : memref<40x256xf32, #tpu.memory_space<vmem>>, vector<1x256xf32>,
    %get3A_372 = arith.constant 5 : index
    %get3A_373 = arith.constant 0 : index
    %get3A_374 = arith.constant 0 : index
    %get3A_375 = vector.load %arg1[%get3A_372, %get3A_373, %get3A_374] : memref<8x512x128xf32, #tpu.memory_space<vmem>>, vector<1x256x128xf32>
    %get3A_376 = vector.shape_cast %get3A_375 : vector<1x256x128xf32> to vector<256x128xf32>
    %get3A_377 = arith.constant 5 : index
    %get3A_378 = arith.constant 256 : index
    %get3A_379 = arith.constant 0 : index
    %get3A_380 = vector.load %arg1[%get3A_377, %get3A_378, %get3A_379] : memref<8x512x128xf32, #tpu.memory_space<vmem>>, vector<1x256x128xf32>
    %get3A_381 = vector.shape_cast %get3A_380 : vector<1x256x128xf32> to vector<256x128xf32>
    %convert_element_type3A_382 = arith.truncf %get3A_376 : vector<256x128xf32> to vector<256x128xbf16>
    %convert_element_type3A_383 = arith.truncf %get3A_381 : vector<256x128xf32> to vector<256x128xbf16>
    %concatenate3A_384 = tpu.concatenate %convert_element_type3A_382, %convert_element_type3A_383 in 1 : vector<256x128xbf16>, vector<256x128xbf16> -> vector<256x256xbf16>
    %reduce_sum3A_385 = arith.constant dense<0.000000e+00> : vector<256xf32>
    %reduce_sum3A_386 = vector.multi_reduction <add>, %get3A_376, %reduce_sum3A_385 [1] : vector<256x128xf32> to vector<256xf32>
    %broadcast_in_dim3A_387 = vector.shape_cast %reduce_sum3A_386 : vector<256xf32> to vector<256x1xf32>
    %reduce_sum3A_388 = arith.constant dense<0.000000e+00> : vector<256xf32>
    %reduce_sum3A_389 = vector.multi_reduction <add>, %get3A_381, %reduce_sum3A_388 [1] : vector<256x128xf32> to vector<256xf32>
    %broadcast_in_dim3A_390 = vector.shape_cast %reduce_sum3A_389 : vector<256xf32> to vector<256x1xf32>
    %add3A_391 = arith.addf %broadcast_in_dim3A_387, %broadcast_in_dim3A_390 : vector<256x1xf32>
    %max3A_392 = arith.constant 1.000000e+00 : f32
    %max3A_393 = vector.broadcast %max3A_392 : f32 to vector<256x1xf32>
    %max3A_394 = arith.maximumf %add3A_391, %max3A_393 : vector<256x1xf32>
    %div3A_395 = arith.constant 1.000000e+00 : f32
    %div3A_396 = vector.broadcast %div3A_395 : f32 to vector<256x1xf32>
    %div3A_397 = arith.divf %div3A_396, %max3A_394 : vector<256x1xf32>
    %get3A_398 = arith.constant 1250 : index
    %get3A_399 = arith.constant 0 : index
    %get3A_400 = vector.load %arg2[%get3A_398, %get3A_399] : memref<2000x256xbf16, #tpu.memory_space<vmem>>, vector<250x256xbf16>
    %concatenate3A_401 = tpu.concatenate %get3A_400, %broadcast_in_dim3A_0 in 0 : vector<250x256xbf16>, vector<6x256xbf16> -> vector<256x256xbf16>
    %dot_general3A_402 = arith.constant dense<0.000000e+00> : vector<256x256xf32>
    %dot_general3A_403 = tpu.matmul %concatenate3A_384, %concatenate3A_401, %dot_general3A_402 {dimension_numbers = #tpu.dot_dimension_numbers<[1], [0], [0], [1], [0, 0, 1, 1], [], []>, transpose_lhs_hint = false} : vector<256x256xbf16>, vector<256x256xbf16>, vector<256x256xf32> -> vector<256x256xf32>
    %mul3A_404 = vector.broadcast %div3A_397 : vector<256x1xf32> to vector<256x256xf32>
    %mul3A_405 = arith.mulf %dot_general3A_403, %mul3A_404 : vector<256x256xf32>
    %get3A_406 = arith.constant 0 : index
    %get3A_407 = arith.constant 0 : index
    %get3A_408 = vector.load %arg4[%get3A_406, %get3A_407] : memref<1x256xf32, #tpu.memory_space<vmem>>, vector<1x256xf32>
    %add3A_409 = vector.broadcast %get3A_408 : vector<1x256xf32> to vector<256x256xf32>
    %add3A_410 = arith.addf %mul3A_405, %add3A_409 : vector<256x256xf32>
    %max3A_411 = arith.constant 0.000000e+00 : f32
    %max3A_412 = vector.broadcast %max3A_411 : f32 to vector<256x256xf32>
    %max3A_413 = arith.maximumf %add3A_410, %max3A_412 : vector<256x256xf32>
    %convert_element_type3A_414 = arith.truncf %max3A_413 : vector<256x256xf32> to vector<256x256xbf16>
    %get3A_415 = arith.constant 0 : index
    %get3A_416 = arith.constant 0 : index
    %get3A_417 = vector.load %arg3[%get3A_415, %get3A_416] : memref<256x256xf32, #tpu.memory_space<vmem>>, vector<256x256xf32>
    %dot_general3A_418 = arith.constant dense<0.000000e+00> : vector<256x256xf32>
    %dot_general3A_419 = tpu.matmul %convert_element_type3A_414, %get3A_417, %dot_general3A_418 {dimension_numbers = #tpu.dot_dimension_numbers<[1], [0], [0], [1], [0, 0, 1, 1], [], []>, transpose_lhs_hint = false} : vector<256x256xbf16>, vector<256x256xf32>, vector<256x256xf32> -> vector<256x256xf32>
    %convert_element_type3A_420 = arith.truncf %dot_general3A_419 : vector<256x256xf32> to vector<256x256xbf16>
    %dot_general3A_421 = arith.constant dense<0.000000e+00> : vector<256x256xf32>
    %dot_general3A_422 = tpu.matmul %concatenate3A_384, %convert_element_type3A_420, %dot_general3A_421 {dimension_numbers = #tpu.dot_dimension_numbers<[1], [0], [0], [1], [0, 0, 1, 1], [], []>, transpose_lhs_hint = false} : vector<256x256xbf16>, vector<256x256xbf16>, vector<256x256xf32> -> vector<256x256xf32>
    %mul3A_423 = vector.broadcast %div3A_397 : vector<256x1xf32> to vector<256x256xf32>
    %mul3A_424 = arith.mulf %dot_general3A_422, %mul3A_423 : vector<256x256xf32>
    %get3A_425 = arith.constant 0 : index
    %get3A_426 = arith.constant 0 : index
    %get3A_427 = vector.load %arg5[%get3A_425, %get3A_426] : memref<1x256xf32, #tpu.memory_space<vmem>>, vector<1x256xf32>
    %add3A_428 = vector.broadcast %get3A_427 : vector<1x256xf32> to vector<256x256xf32>
    %add3A_429 = arith.addf %mul3A_424, %add3A_428 : vector<256x256xf32>
    %max3A_430 = arith.constant 0.000000e+00 : f32
    %max3A_431 = vector.broadcast %max3A_430 : f32 to vector<256x256xf32>
    %max3A_432 = arith.maximumf %add3A_429, %max3A_431 : vector<256x256xf32>
    %lt3A_433 = arith.constant 250 : i32
    %lt3A_434 = vector.broadcast %lt3A_433 : i32 to vector<256x256xi32>
    %lt3A_435 = arith.cmpi slt, %iota3A, %lt3A_434 : vector<256x256xi32>
    %jit3A_436 = arith.constant -1.000000e+09 : f32
    %broadcast_in_dim3A_437 = vector.broadcast %jit3A_436 : f32 to vector<256x256xf32>
    %select_n3A_438 = arith.select %lt3A_435, %max3A_432, %broadcast_in_dim3A_437 : vector<256x256xi1>, vector<256x256xf32>
    %reduce_max3A_439 = arith.constant dense<0xFF800000> : vector<256xf32>
    %reduce_max3A_440 = vector.multi_reduction <maximumf>, %select_n3A_438, %reduce_max3A_439 [0] : vector<256x256xf32> to vector<256xf32>
    %broadcast_in_dim3A_441 = vector.shape_cast %reduce_max3A_440 : vector<256xf32> to vector<1x256xf32>
    %mul3A_442 = arith.constant 8 : i32
    %mul3A_443 = arith.muli %arg0, %mul3A_442 : i32
    %add3A_444 = arith.constant 5 : i32
    %add3A_445 = arith.addi %mul3A_443, %add3A_444 : i32
    %swap3A_446 = arith.index_cast %add3A_445 : i32 to index
    %swap3A_447 = arith.constant 0 : index
    %swap3A_448 = vector.load %arg11[%swap3A_446, %swap3A_447] : memref<40x256xf32, #tpu.memory_space<vmem>>, vector<1x256xf32>
    tpu.vector_store %arg11[%swap3A_446, %swap3A_447], %broadcast_in_dim3A_441 {strides = array<i32>} : memref<40x256xf32, #tpu.memory_space<vmem>>, vector<1x256xf32>,
    %get3A_449 = arith.constant 6 : index
    %get3A_450 = arith.constant 0 : index
    %get3A_451 = arith.constant 0 : index
    %get3A_452 = vector.load %arg1[%get3A_449, %get3A_450, %get3A_451] : memref<8x512x128xf32, #tpu.memory_space<vmem>>, vector<1x256x128xf32>
    %get3A_453 = vector.shape_cast %get3A_452 : vector<1x256x128xf32> to vector<256x128xf32>
    %get3A_454 = arith.constant 6 : index
    %get3A_455 = arith.constant 256 : index
    %get3A_456 = arith.constant 0 : index
    %get3A_457 = vector.load %arg1[%get3A_454, %get3A_455, %get3A_456] : memref<8x512x128xf32, #tpu.memory_space<vmem>>, vector<1x256x128xf32>
    %get3A_458 = vector.shape_cast %get3A_457 : vector<1x256x128xf32> to vector<256x128xf32>
    %convert_element_type3A_459 = arith.truncf %get3A_453 : vector<256x128xf32> to vector<256x128xbf16>
    %convert_element_type3A_460 = arith.truncf %get3A_458 : vector<256x128xf32> to vector<256x128xbf16>
    %concatenate3A_461 = tpu.concatenate %convert_element_type3A_459, %convert_element_type3A_460 in 1 : vector<256x128xbf16>, vector<256x128xbf16> -> vector<256x256xbf16>
    %reduce_sum3A_462 = arith.constant dense<0.000000e+00> : vector<256xf32>
    %reduce_sum3A_463 = vector.multi_reduction <add>, %get3A_453, %reduce_sum3A_462 [1] : vector<256x128xf32> to vector<256xf32>
    %broadcast_in_dim3A_464 = vector.shape_cast %reduce_sum3A_463 : vector<256xf32> to vector<256x1xf32>
    %reduce_sum3A_465 = arith.constant dense<0.000000e+00> : vector<256xf32>
    %reduce_sum3A_466 = vector.multi_reduction <add>, %get3A_458, %reduce_sum3A_465 [1] : vector<256x128xf32> to vector<256xf32>
    %broadcast_in_dim3A_467 = vector.shape_cast %reduce_sum3A_466 : vector<256xf32> to vector<256x1xf32>
    %add3A_468 = arith.addf %broadcast_in_dim3A_464, %broadcast_in_dim3A_467 : vector<256x1xf32>
    %max3A_469 = arith.constant 1.000000e+00 : f32
    %max3A_470 = vector.broadcast %max3A_469 : f32 to vector<256x1xf32>
    %max3A_471 = arith.maximumf %add3A_468, %max3A_470 : vector<256x1xf32>
    %div3A_472 = arith.constant 1.000000e+00 : f32
    %div3A_473 = vector.broadcast %div3A_472 : f32 to vector<256x1xf32>
    %div3A_474 = arith.divf %div3A_473, %max3A_471 : vector<256x1xf32>
    %get3A_475 = arith.constant 1500 : index
    %get3A_476 = arith.constant 0 : index
    %get3A_477 = vector.load %arg2[%get3A_475, %get3A_476] : memref<2000x256xbf16, #tpu.memory_space<vmem>>, vector<250x256xbf16>
    %concatenate3A_478 = tpu.concatenate %get3A_477, %broadcast_in_dim3A_0 in 0 : vector<250x256xbf16>, vector<6x256xbf16> -> vector<256x256xbf16>
    %dot_general3A_479 = arith.constant dense<0.000000e+00> : vector<256x256xf32>
    %dot_general3A_480 = tpu.matmul %concatenate3A_461, %concatenate3A_478, %dot_general3A_479 {dimension_numbers = #tpu.dot_dimension_numbers<[1], [0], [0], [1], [0, 0, 1, 1], [], []>, transpose_lhs_hint = false} : vector<256x256xbf16>, vector<256x256xbf16>, vector<256x256xf32> -> vector<256x256xf32>
    %mul3A_481 = vector.broadcast %div3A_474 : vector<256x1xf32> to vector<256x256xf32>
    %mul3A_482 = arith.mulf %dot_general3A_480, %mul3A_481 : vector<256x256xf32>
    %get3A_483 = arith.constant 0 : index
    %get3A_484 = arith.constant 0 : index
    %get3A_485 = vector.load %arg4[%get3A_483, %get3A_484] : memref<1x256xf32, #tpu.memory_space<vmem>>, vector<1x256xf32>
    %add3A_486 = vector.broadcast %get3A_485 : vector<1x256xf32> to vector<256x256xf32>
    %add3A_487 = arith.addf %mul3A_482, %add3A_486 : vector<256x256xf32>
    %max3A_488 = arith.constant 0.000000e+00 : f32
    %max3A_489 = vector.broadcast %max3A_488 : f32 to vector<256x256xf32>
    %max3A_490 = arith.maximumf %add3A_487, %max3A_489 : vector<256x256xf32>
    %convert_element_type3A_491 = arith.truncf %max3A_490 : vector<256x256xf32> to vector<256x256xbf16>
    %get3A_492 = arith.constant 0 : index
    %get3A_493 = arith.constant 0 : index
    %get3A_494 = vector.load %arg3[%get3A_492, %get3A_493] : memref<256x256xf32, #tpu.memory_space<vmem>>, vector<256x256xf32>
    %dot_general3A_495 = arith.constant dense<0.000000e+00> : vector<256x256xf32>
    %dot_general3A_496 = tpu.matmul %convert_element_type3A_491, %get3A_494, %dot_general3A_495 {dimension_numbers = #tpu.dot_dimension_numbers<[1], [0], [0], [1], [0, 0, 1, 1], [], []>, transpose_lhs_hint = false} : vector<256x256xbf16>, vector<256x256xf32>, vector<256x256xf32> -> vector<256x256xf32>
    %convert_element_type3A_497 = arith.truncf %dot_general3A_496 : vector<256x256xf32> to vector<256x256xbf16>
    %dot_general3A_498 = arith.constant dense<0.000000e+00> : vector<256x256xf32>
    %dot_general3A_499 = tpu.matmul %concatenate3A_461, %convert_element_type3A_497, %dot_general3A_498 {dimension_numbers = #tpu.dot_dimension_numbers<[1], [0], [0], [1], [0, 0, 1, 1], [], []>, transpose_lhs_hint = false} : vector<256x256xbf16>, vector<256x256xbf16>, vector<256x256xf32> -> vector<256x256xf32>
    %mul3A_500 = vector.broadcast %div3A_474 : vector<256x1xf32> to vector<256x256xf32>
    %mul3A_501 = arith.mulf %dot_general3A_499, %mul3A_500 : vector<256x256xf32>
    %get3A_502 = arith.constant 0 : index
    %get3A_503 = arith.constant 0 : index
    %get3A_504 = vector.load %arg5[%get3A_502, %get3A_503] : memref<1x256xf32, #tpu.memory_space<vmem>>, vector<1x256xf32>
    %add3A_505 = vector.broadcast %get3A_504 : vector<1x256xf32> to vector<256x256xf32>
    %add3A_506 = arith.addf %mul3A_501, %add3A_505 : vector<256x256xf32>
    %max3A_507 = arith.constant 0.000000e+00 : f32
    %max3A_508 = vector.broadcast %max3A_507 : f32 to vector<256x256xf32>
    %max3A_509 = arith.maximumf %add3A_506, %max3A_508 : vector<256x256xf32>
    %lt3A_510 = arith.constant 250 : i32
    %lt3A_511 = vector.broadcast %lt3A_510 : i32 to vector<256x256xi32>
    %lt3A_512 = arith.cmpi slt, %iota3A, %lt3A_511 : vector<256x256xi32>
    %jit3A_513 = arith.constant -1.000000e+09 : f32
    %broadcast_in_dim3A_514 = vector.broadcast %jit3A_513 : f32 to vector<256x256xf32>
    %select_n3A_515 = arith.select %lt3A_512, %max3A_509, %broadcast_in_dim3A_514 : vector<256x256xi1>, vector<256x256xf32>
    %reduce_max3A_516 = arith.constant dense<0xFF800000> : vector<256xf32>
    %reduce_max3A_517 = vector.multi_reduction <maximumf>, %select_n3A_515, %reduce_max3A_516 [0] : vector<256x256xf32> to vector<256xf32>
    %broadcast_in_dim3A_518 = vector.shape_cast %reduce_max3A_517 : vector<256xf32> to vector<1x256xf32>
    %mul3A_519 = arith.constant 8 : i32
    %mul3A_520 = arith.muli %arg0, %mul3A_519 : i32
    %add3A_521 = arith.constant 6 : i32
    %add3A_522 = arith.addi %mul3A_520, %add3A_521 : i32
    %swap3A_523 = arith.index_cast %add3A_522 : i32 to index
    %swap3A_524 = arith.constant 0 : index
    %swap3A_525 = vector.load %arg11[%swap3A_523, %swap3A_524] : memref<40x256xf32, #tpu.memory_space<vmem>>, vector<1x256xf32>
    tpu.vector_store %arg11[%swap3A_523, %swap3A_524], %broadcast_in_dim3A_518 {strides = array<i32>} : memref<40x256xf32, #tpu.memory_space<vmem>>, vector<1x256xf32>,
    %get3A_526 = arith.constant 7 : index
    %get3A_527 = arith.constant 0 : index
    %get3A_528 = arith.constant 0 : index
    %get3A_529 = vector.load %arg1[%get3A_526, %get3A_527, %get3A_528] : memref<8x512x128xf32, #tpu.memory_space<vmem>>, vector<1x256x128xf32>
    %get3A_530 = vector.shape_cast %get3A_529 : vector<1x256x128xf32> to vector<256x128xf32>
    %get3A_531 = arith.constant 7 : index
    %get3A_532 = arith.constant 256 : index
    %get3A_533 = arith.constant 0 : index
    %get3A_534 = vector.load %arg1[%get3A_531, %get3A_532, %get3A_533] : memref<8x512x128xf32, #tpu.memory_space<vmem>>, vector<1x256x128xf32>
    %get3A_535 = vector.shape_cast %get3A_534 : vector<1x256x128xf32> to vector<256x128xf32>
    %convert_element_type3A_536 = arith.truncf %get3A_530 : vector<256x128xf32> to vector<256x128xbf16>
    %convert_element_type3A_537 = arith.truncf %get3A_535 : vector<256x128xf32> to vector<256x128xbf16>
    %concatenate3A_538 = tpu.concatenate %convert_element_type3A_536, %convert_element_type3A_537 in 1 : vector<256x128xbf16>, vector<256x128xbf16> -> vector<256x256xbf16>
    %reduce_sum3A_539 = arith.constant dense<0.000000e+00> : vector<256xf32>
    %reduce_sum3A_540 = vector.multi_reduction <add>, %get3A_530, %reduce_sum3A_539 [1] : vector<256x128xf32> to vector<256xf32>
    %broadcast_in_dim3A_541 = vector.shape_cast %reduce_sum3A_540 : vector<256xf32> to vector<256x1xf32>
    %reduce_sum3A_542 = arith.constant dense<0.000000e+00> : vector<256xf32>
    %reduce_sum3A_543 = vector.multi_reduction <add>, %get3A_535, %reduce_sum3A_542 [1] : vector<256x128xf32> to vector<256xf32>
    %broadcast_in_dim3A_544 = vector.shape_cast %reduce_sum3A_543 : vector<256xf32> to vector<256x1xf32>
    %add3A_545 = arith.addf %broadcast_in_dim3A_541, %broadcast_in_dim3A_544 : vector<256x1xf32>
    %max3A_546 = arith.constant 1.000000e+00 : f32
    %max3A_547 = vector.broadcast %max3A_546 : f32 to vector<256x1xf32>
    %max3A_548 = arith.maximumf %add3A_545, %max3A_547 : vector<256x1xf32>
    %div3A_549 = arith.constant 1.000000e+00 : f32
    %div3A_550 = vector.broadcast %div3A_549 : f32 to vector<256x1xf32>
    %div3A_551 = arith.divf %div3A_550, %max3A_548 : vector<256x1xf32>
    %get3A_552 = arith.constant 1750 : index
    %get3A_553 = arith.constant 0 : index
    %get3A_554 = vector.load %arg2[%get3A_552, %get3A_553] : memref<2000x256xbf16, #tpu.memory_space<vmem>>, vector<250x256xbf16>
    %concatenate3A_555 = tpu.concatenate %get3A_554, %broadcast_in_dim3A_0 in 0 : vector<250x256xbf16>, vector<6x256xbf16> -> vector<256x256xbf16>
    %dot_general3A_556 = arith.constant dense<0.000000e+00> : vector<256x256xf32>
    %dot_general3A_557 = tpu.matmul %concatenate3A_538, %concatenate3A_555, %dot_general3A_556 {dimension_numbers = #tpu.dot_dimension_numbers<[1], [0], [0], [1], [0, 0, 1, 1], [], []>, transpose_lhs_hint = false} : vector<256x256xbf16>, vector<256x256xbf16>, vector<256x256xf32> -> vector<256x256xf32>
    %mul3A_558 = vector.broadcast %div3A_551 : vector<256x1xf32> to vector<256x256xf32>
    %mul3A_559 = arith.mulf %dot_general3A_557, %mul3A_558 : vector<256x256xf32>
    %get3A_560 = arith.constant 0 : index
    %get3A_561 = arith.constant 0 : index
    %get3A_562 = vector.load %arg4[%get3A_560, %get3A_561] : memref<1x256xf32, #tpu.memory_space<vmem>>, vector<1x256xf32>
    %add3A_563 = vector.broadcast %get3A_562 : vector<1x256xf32> to vector<256x256xf32>
    %add3A_564 = arith.addf %mul3A_559, %add3A_563 : vector<256x256xf32>
    %max3A_565 = arith.constant 0.000000e+00 : f32
    %max3A_566 = vector.broadcast %max3A_565 : f32 to vector<256x256xf32>
    %max3A_567 = arith.maximumf %add3A_564, %max3A_566 : vector<256x256xf32>
    %convert_element_type3A_568 = arith.truncf %max3A_567 : vector<256x256xf32> to vector<256x256xbf16>
    %get3A_569 = arith.constant 0 : index
    %get3A_570 = arith.constant 0 : index
    %get3A_571 = vector.load %arg3[%get3A_569, %get3A_570] : memref<256x256xf32, #tpu.memory_space<vmem>>, vector<256x256xf32>
    %dot_general3A_572 = arith.constant dense<0.000000e+00> : vector<256x256xf32>
    %dot_general3A_573 = tpu.matmul %convert_element_type3A_568, %get3A_571, %dot_general3A_572 {dimension_numbers = #tpu.dot_dimension_numbers<[1], [0], [0], [1], [0, 0, 1, 1], [], []>, transpose_lhs_hint = false} : vector<256x256xbf16>, vector<256x256xf32>, vector<256x256xf32> -> vector<256x256xf32>
    %convert_element_type3A_574 = arith.truncf %dot_general3A_573 : vector<256x256xf32> to vector<256x256xbf16>
    %dot_general3A_575 = arith.constant dense<0.000000e+00> : vector<256x256xf32>
    %dot_general3A_576 = tpu.matmul %concatenate3A_538, %convert_element_type3A_574, %dot_general3A_575 {dimension_numbers = #tpu.dot_dimension_numbers<[1], [0], [0], [1], [0, 0, 1, 1], [], []>, transpose_lhs_hint = false} : vector<256x256xbf16>, vector<256x256xbf16>, vector<256x256xf32> -> vector<256x256xf32>
    %mul3A_577 = vector.broadcast %div3A_551 : vector<256x1xf32> to vector<256x256xf32>
    %mul3A_578 = arith.mulf %dot_general3A_576, %mul3A_577 : vector<256x256xf32>
    %get3A_579 = arith.constant 0 : index
    %get3A_580 = arith.constant 0 : index
    %get3A_581 = vector.load %arg5[%get3A_579, %get3A_580] : memref<1x256xf32, #tpu.memory_space<vmem>>, vector<1x256xf32>
    %add3A_582 = vector.broadcast %get3A_581 : vector<1x256xf32> to vector<256x256xf32>
    %add3A_583 = arith.addf %mul3A_578, %add3A_582 : vector<256x256xf32>
    %max3A_584 = arith.constant 0.000000e+00 : f32
    %max3A_585 = vector.broadcast %max3A_584 : f32 to vector<256x256xf32>
    %max3A_586 = arith.maximumf %add3A_583, %max3A_585 : vector<256x256xf32>
    %lt3A_587 = arith.constant 250 : i32
    %lt3A_588 = vector.broadcast %lt3A_587 : i32 to vector<256x256xi32>
    %lt3A_589 = arith.cmpi slt, %iota3A, %lt3A_588 : vector<256x256xi32>
    %jit3A_590 = arith.constant -1.000000e+09 : f32
    %broadcast_in_dim3A_591 = vector.broadcast %jit3A_590 : f32 to vector<256x256xf32>
    %select_n3A_592 = arith.select %lt3A_589, %max3A_586, %broadcast_in_dim3A_591 : vector<256x256xi1>, vector<256x256xf32>
    %reduce_max3A_593 = arith.constant dense<0xFF800000> : vector<256xf32>
    %reduce_max3A_594 = vector.multi_reduction <maximumf>, %select_n3A_592, %reduce_max3A_593 [0] : vector<256x256xf32> to vector<256xf32>
    %broadcast_in_dim3A_595 = vector.shape_cast %reduce_max3A_594 : vector<256xf32> to vector<1x256xf32>
    %mul3A_596 = arith.constant 8 : i32
    %mul3A_597 = arith.muli %arg0, %mul3A_596 : i32
    %add3A_598 = arith.constant 7 : i32
    %add3A_599 = arith.addi %mul3A_597, %add3A_598 : i32
    %swap3A_600 = arith.index_cast %add3A_599 : i32 to index
    %swap3A_601 = arith.constant 0 : index
    %swap3A_602 = vector.load %arg11[%swap3A_600, %swap3A_601] : memref<40x256xf32, #tpu.memory_space<vmem>>, vector<1x256xf32>
    tpu.vector_store %arg11[%swap3A_600, %swap3A_601], %broadcast_in_dim3A_595 {strides = array<i32>} : memref<40x256xf32, #tpu.memory_space<vmem>>, vector<1x256xf32>,
    %eq3A = arith.constant 4 : i32
    %eq3A_603 = arith.cmpi eq, %arg0, %eq3A : i32
    %convert_element_type3A_604 = arith.extui %eq3A_603 : i1 to i32
    %cond3A = arith.constant 0 : i32
    %cond3A_605 = arith.cmpi ne, %convert_element_type3A_604, %cond3A : i32
    scf.if %cond3A_605 {
      %get3A_606 = arith.constant 0 : index
      %get3A_607 = arith.constant 0 : index
      %get3A_608 = vector.load %arg11[%get3A_606, %get3A_607] : memref<40x256xf32, #tpu.memory_space<vmem>>, vector<40x256xf32>
      %get3A_609 = arith.constant 0 : index
      %get3A_610 = arith.constant 0 : index
      %get3A_611 = vector.load %arg6[%get3A_609, %get3A_610] : memref<256x128xf32, #tpu.memory_space<vmem>>, vector<256x128xf32>
      %dot_general3A_612 = arith.constant dense<0.000000e+00> : vector<40x128xf32>
      %dot_general3A_613 = tpu.matmul %get3A_608, %get3A_611, %dot_general3A_612 {dimension_numbers = #tpu.dot_dimension_numbers<[1], [0], [0], [1], [0, 0, 1, 1], [], []>, transpose_lhs_hint = false} : vector<40x256xf32>, vector<256x128xf32>, vector<40x128xf32> -> vector<40x128xf32>
      %get3A_614 = arith.constant 0 : index
      %get3A_615 = arith.constant 0 : index
      %get3A_616 = vector.load %arg8[%get3A_614, %get3A_615] : memref<1x128xf32, #tpu.memory_space<vmem>>, vector<1x128xf32>
      %add3A_617 = vector.broadcast %get3A_616 : vector<1x128xf32> to vector<40x128xf32>
      %add3A_618 = arith.addf %dot_general3A_613, %add3A_617 : vector<40x128xf32>
      %max3A_619 = arith.constant 0.000000e+00 : f32
      %max3A_620 = vector.broadcast %max3A_619 : f32 to vector<40x128xf32>
      %max3A_621 = arith.maximumf %add3A_618, %max3A_620 : vector<40x128xf32>
      %get3A_622 = arith.constant 0 : index
      %get3A_623 = arith.constant 0 : index
      %get3A_624 = vector.load %arg7[%get3A_622, %get3A_623] : memref<128x128xf32, #tpu.memory_space<vmem>>, vector<128x128xf32>
      %dot_general3A_625 = arith.constant dense<0.000000e+00> : vector<40x128xf32>
      %dot_general3A_626 = tpu.matmul %max3A_621, %get3A_624, %dot_general3A_625 {dimension_numbers = #tpu.dot_dimension_numbers<[1], [0], [0], [1], [0, 0, 1, 1], [], []>, transpose_lhs_hint = false} : vector<40x128xf32>, vector<128x128xf32>, vector<40x128xf32> -> vector<40x128xf32>
      %get3A_627 = arith.constant 0 : index
      %get3A_628 = arith.constant 0 : index
      %get3A_629 = vector.load %arg9[%get3A_627, %get3A_628] : memref<1x128xf32, #tpu.memory_space<vmem>>, vector<1x128xf32>
      %add3A_630 = vector.broadcast %get3A_629 : vector<1x128xf32> to vector<40x128xf32>
      %add3A_631 = arith.addf %dot_general3A_626, %add3A_630 : vector<40x128xf32>
      %swap3A_632 = arith.constant 0 : index
      %swap3A_633 = arith.constant 0 : index
      %swap3A_634 = vector.load %arg10[%swap3A_632, %swap3A_633] : memref<40x128xf32, #tpu.memory_space<vmem>>, vector<40x128xf32>
      tpu.vector_store %arg10[%swap3A_632, %swap3A_633], %add3A_631 {strides = array<i32>} : memref<40x128xf32, #tpu.memory_space<vmem>>, vector<40x128xf32>,
    } else {
    }
    return
  }
  func.func @transform_0(%arg0: i32) -> (i32, i32, i32) {
    %c0_i32 = arith.constant 0 : i32
    %c0_i32_0 = arith.constant 0 : i32
    %c0_i32_1 = arith.constant 0 : i32
    return %arg0, %c0_i32, %c0_i32_0 : i32, i32, i32
  }
  func.func @transform_1(%arg0: i32) -> (i32, i32) {
    %c0_i32 = arith.constant 0 : i32
    %c0_i32_0 = arith.constant 0 : i32
    return %arg0, %c0_i32 : i32, i32
  }
  func.func @transform_2(%arg0: i32) -> (i32, i32) {
    %c0_i32 = arith.constant 0 : i32
    %c0_i32_0 = arith.constant 0 : i32
    %c0_i32_1 = arith.constant 0 : i32
    return %c0_i32, %c0_i32_0 : i32, i32
  }
  func.func @transform_3(%arg0: i32) -> (i32, i32) {
    %c0_i32 = arith.constant 0 : i32
    %c0_i32_0 = arith.constant 0 : i32
    %c0_i32_1 = arith.constant 0 : i32
    return %c0_i32, %c0_i32_0 : i32, i32
  }
  func.func @transform_4(%arg0: i32) -> (i32, i32) {
    %c0_i32 = arith.constant 0 : i32
    %c0_i32_0 = arith.constant 0 : i32
    %c0_i32_1 = arith.constant 0 : i32
    return %c0_i32, %c0_i32_0 : i32, i32
  }
  func.func @transform_5(%arg0: i32) -> (i32, i32) {
    %c0_i32 = arith.constant 0 : i32
    %c0_i32_0 = arith.constant 0 : i32
    %c0_i32_1 = arith.constant 0 : i32
    return %c0_i32, %c0_i32_0 : i32, i32
  }
  func.func @transform_6(%arg0: i32) -> (i32, i32) {
    %c0_i32 = arith.constant 0 : i32
    %c0_i32_0 = arith.constant 0 : i32
    %c0_i32_1 = arith.constant 0 : i32
    return %c0_i32, %c0_i32_0 : i32, i32
  }
  func.func @transform_7(%arg0: i32) -> (i32, i32) {
    %c0_i32 = arith.constant 0 : i32
    %c0_i32_0 = arith.constant 0 : i32
    %c0_i32_1 = arith.constant 0 : i32
    return %c0_i32, %c0_i32_0 : i32, i32
  }
  func.func @transform_8(%arg0: i32) -> (i32, i32) {
    %c0_i32 = arith.constant 0 : i32
    %c0_i32_0 = arith.constant 0 : i32
    %c0_i32_1 = arith.constant 0 : i32
    return %c0_i32, %c0_i32_0 : i32, i32
  }
  func.func @transform_9(%arg0: i32) -> (i32, i32) {
    %c0_i32 = arith.constant 0 : i32
    %c0_i32_0 = arith.constant 0 : i32
    %c0_i32_1 = arith.constant 0 : i32
    return %c0_i32, %c0_i32_0 : i32, i32
  }
}

</mosaic_0001>

<sc_bundles>
// kernel: kernel.5.cloned.1.call-start
scs
__scs_entry_jumppad:
0x0: {  	(pc) =	sbr.rel $0x88, $3  }
0x1: {  	(tag) =	ssettag $0x0;
	lr =	simm.s32 $0x1  }
0x2: {  	[smem:$0x3F97] =	sst lr;
	_ =	strace $0xD0000000  }
0x3: {  	_ = 	snop  }
0x4: {  	_ = 	snop  }
0x5: {  	_ = 	snop  }
0x6: {  	_ = 	snop  }
0x7: {  	_ = 	snop  }
__scs_overlays_trampoline_lowered:
0x8: {  	[smem:$0x3FA6] =	sst s0  }
0x9: {  	[smem:$0x3FA7] =	sst s1  }
0xa: {  	[smem:$0x3FA8] =	sst s2  }
0xb: {  	[smem:$0x3FA9] =	sst s3  }
0xc: {  	[smem:$0x3FAA] =	sst s4  }
0xd: {  	[smem:$0x3FAB] =	sst s5  }
0xe: {  	[smem:$0x3FAC] =	sst s6  }
0xf: {  	[smem:$0x3FAD] =	sst s7  }
0x10: {  	[smem:$0x3FAE] =	sst s8  }
0x11: {  	[smem:$0x3FAF] =	sst s9;
	s0 =	simm.s32 @!p0 $0x0  }
0x12: {  	s1 =	sld [smem:$0x3F95];
	s0 =	simm.s32 @p0 $0x1  }
0x13: {  	[smem:$0x3FB0] =	sst s0;
	s0 =	simm.s32 @!p1 $0x0  }
0x14: {  	s2 =	sld [smem:$0x3F94];
	s0 =	simm.s32 @p1 $0x1  }
0x15: {  	[smem:$0x3FB1] =	sst s0;
	s0 =	simm.s32 @!p2 $0x0  }
0x16: {  	s3 =	sld [smem:$0x3FDB];
	s0 =	simm.s32 @p2 $0x1  }
0x17: {  	s4 =	simm.s32 $0x1BF5;
	[smem:$0x3FB3] =	sst s0  }
0x18: {  	s0 =	sld [smem:$0x3F96];
	_ =	swait.ge [sflag:s4], $0x0  }
0x19: {  	s7 =	sld [smem:$0x3F97]  }
0x1a: {  	s8 =	sadd.s32 $0xFFFFE003, lr  }
0x1b: {  	s9 =	sadd.s32 $0xFFFFFEF7, lr;
	s5 =	simm.s32 $0xFFFFFFFF;
	p2 =	slt.u32 s8, $0xFFFFF086  }
0x1c: {  	p1 =	slt.u32 s9, $0xF7A;
	s5 =	simm.s32 @!p2 $0x0  }
0x1d: {  	s5 =	simm.s32 @p1 $0x1;
	p0 =	seq.s32 s7, s2  }
0x1e: {  	s7 =	smul.u32 @!p0 $0xF7A, s2;
	p2 =	seq.s32 @!p0 s5, $0x0  }
0x1f: {  	s9 =	smul.u32 $0xF7A, s1;
	s8 =	simm.s32 @!p0 $0x1BF5;
	p2 =	por !p2, p0  }
0x20: {  	[sflag:s8] =	ssyncset.s32 @!p0 $0xFFFFF086;
	s6 =	sadd.s32 @!p0 s3, s7;
	s7 =	simm.s32 @!p0 $0x108  }
0x21: {  	s3 =	sadd.s32 s3, s9;
	s6 =	sadd.s32 @!p0 $0x88, s6;
	s7 =	simm.s32 @p2 $0x1082  }
0x22: {  	[simem:s7], [sflag:s8] =	dma.local @!p0 [hbm:s6], $0xF7A  }
0x23: {  	s9 =	sor.u32 $0xD0000000, s2;
	s6 =	simm.s32 $0x108;
	_ =	swait.ge @!p0 [sflag:s8], $0x0  }
0x24: {  	s3 =	sadd.s32 $0x88, s3;
	s6 =	simm.s32 @!p1 $0x1082;
	[sflag:s4] =	ssyncset.s32 $0xFFFFF086  }
0x25: {  	[simem:s6], [sflag:s4] =	dma.local [hbm:s3], $0xF7A  }
0x26: {  	[smem:$0x3F97] =	sst s1;
	(tag) =	ssettag s2;
	_ =	strace s9  }
0x27: {  	s1 =	sld [smem:$0x3FA7]  }
0x28: {  	s2 =	sld [smem:$0x3FA8]  }
0x29: {  	s4 =	sld [smem:$0x3FAA]  }
0x2a: {  	p0 =	seq.s32 s5, $0x0;
	s5 =	sld [smem:$0x3FAB]  }
0x2b: {  	s6 =	sld [smem:$0x3FAC]  }
0x2c: {  	s7 =	sld [smem:$0x3FAD]  }
0x2d: {  	s3 =	simm.s32 $0x108;
	s8 =	sld [smem:$0x3FAE]  }
0x2e: {  	s3 =	simm.s32 @!p0 $0x1082;
	s9 =	sld [smem:$0x3FAF]  }
0x2f: {  	lr =	sadd.s32 s0, s3;
	s0 =	sld [smem:$0x3FA6]  }
0x30: {  	s3 =	sld [smem:$0x3FA9]  }
0x31: {  	[smem:$0x3FB2] =	sst s10  }
0x32: {  	s10 =	sld [smem:$0x3FB0];
	_ =	sdelay $0x3  }
0x33: {  	p0 =	seq.s32 s10, $0x1;
	s10 =	sld [smem:$0x3FB2];
	_ =	sdelay $0x3  }
0x34: {  	[smem:$0x3FB2] =	sst s10  }
0x35: {  	s10 =	sld [smem:$0x3FB1];
	_ =	sdelay $0x3  }
0x36: {  	p1 =	seq.s32 s10, $0x1;
	s10 =	sld [smem:$0x3FB2];
	_ =	sdelay $0x3  }
0x37: {  	[smem:$0x3FB2] =	sst s10  }
0x38: {  	s10 =	sld [smem:$0x3FB3]  }
0x39: {  	_ = 	snop;
	(pc) =	sbr.ind lr, $3  }
0x3a: {  	_ = 	snop  }
0x3b: {  	_ = 	snop  }
0x3c: {  	p2 =	seq.s32 s10, $0x1;
	s10 =	sld [smem:$0x3FB2]  }
0x3d: {  	_ =	shalt  }
0x3e: {  	_ =	shalt  }
0x3f: {  	_ =	shalt  }
0x40: {  	_ =	shalt  }
0x41: {  	_ =	shalt  }
0x42: {  	_ =	shalt  }
0x43: {  	_ =	shalt  }
0x44: {  	_ =	shalt  }
0x45: {  	_ =	shalt  }
0x46: {  	_ =	shalt  }
0x47: {  	_ =	shalt  }
0x48: {  	_ =	shalt  }
0x49: {  	_ =	shalt  }
0x4a: {  	_ =	shalt  }
0x4b: {  	_ =	shalt  }
0x4c: {  	_ =	shalt  }
0x4d: {  	_ =	shalt  }
0x4e: {  	_ =	shalt  }
0x4f: {  	_ =	shalt  }
0x50: {  	_ =	shalt  }
0x51: {  	_ =	shalt  }
0x52: {  	_ =	shalt  }
0x53: {  	_ =	shalt  }
0x54: {  	_ =	shalt  }
0x55: {  	_ =	shalt  }
0x56: {  	_ =	shalt  }
0x57: {  	_ =	shalt  }
0x58: {  	_ =	shalt  }
0x59: {  	_ =	shalt  }
0x5a: {  	_ =	shalt  }
0x5b: {  	_ =	shalt  }
0x5c: {  	_ =	shalt  }
0x5d: {  	_ =	shalt  }
0x5e: {  	_ =	shalt  }
0x5f: {  	_ =	shalt  }
0x60: {  	_ =	shalt  }
0x61: {  	_ =	shalt  }
0x62: {  	_ =	shalt  }
0x63: {  	_ =	shalt  }
0x64: {  	_ =	shalt  }
0x65: {  	_ =	shalt  }
0x66: {  	_ =	shalt  }
0x67: {  	_ =	shalt  }
0x68: {  	_ =	shalt  }
0x69: {  	_ =	shalt  }
0x6a: {  	_ =	shalt  }
0x6b: {  	_ =	shalt  }
0x6c: {  	_ =	shalt  }
0x6d: {  	_ =	shalt  }
0x6e: {  	_ =	shalt  }
0x6f: {  	_ =	shalt  }
0x70: {  	_ =	shalt  }
0x71: {  	_ =	shalt  }
0x72: {  	_ =	shalt  }
0x73: {  	_ =	shalt  }
0x74: {  	_ =	shalt  }
0x75: {  	_ =	shalt  }
0x76: {  	_ =	shalt  }
0x77: {  	_ =	shalt  }
0x78: {  	_ =	shalt  }
0x79: {  	_ =	shalt  }
0x7a: {  	_ =	shalt  }
0x7b: {  	_ =	shalt  }
0x7c: {  	_ =	shalt  }
0x7d: {  	_ =	shalt  }
0x7e: {  	_ =	shalt  }
0x7f: {  	_ =	shalt  }
0x80: {  	_ =	shalt  }
0x81: {  	_ =	shalt  }
0x82: {  	_ =	shalt  }
0x83: {  	_ =	shalt  }
0x84: {  	_ =	shalt  }
0x85: {  	_ =	shalt  }
0x86: {  	_ =	shalt  }
0x87: {  	_ =	shalt  }
.Lfunc_end0:
.L_simem_size_0:
called_computation_lowered:
.L_overlay_start_0:
0x88: {  	s2 =	sld [smem:$0x3FD9]  }
0x89: {  	s3 =	sld [smem:$0x3FFE];
	_ =	sdelay $0x1  }
0x8a: {  	s1 =	srdreg.scid  }
0x8b: {  	s0 =	sand.u32 $0x1, s1  }
0x8c: {  	s16 =	sshll.u32 s0, $0xA;
	s2 =	sadd.s32 s3, s2  }
0x8d: {  	s2 =	sadd.s32 s2, s16  }
0x8e: {  	[smem:$0x3FBE] =	sst s2  }
0x8f: {  	_ = 	snop  }
0x90: {  	(tm) =	ssettm $0x1  }
0x91: {  	s17 =	sld [smem:$0x3FFB];
	_ =	sdelay $0x3  }
0x92: {  	_ =	strace s17  }
0x93: {  	s2 =	sld [smem:$0x3FFC];
	_ =	sdelay $0x3  }
0x94: {  	_ =	strace s2  }
0x95: {  	s2 =	sld [smem:$0x3FFD];
	_ =	sdelay $0x3  }
0x96: {  	_ =	strace s2  }
0x97: {  	_ =	strace $0x8FFFFFFF  }
0x98: {  	s18 =	sld [smem:$0x3FDB];
	_ =	sdelay $0x1  }
0x99: {  	s19 =	simm.s32 $_scs_section_size  }
0x9a: {  	s4 =	simm.s32 $_size__tile_overlayer_lowered;
	s5 =	simm.s32 $_tile_overlayer_lowered  }
0x9b: {  	s22 =	simm.s32 $0x1BFF;
	s21 =	sshll.u32 s5, $0x1;
	s2 =	sadd.s32 s19, s18  }
0x9c: {  	s6 =	simm.s32 $0x0;
	s20 =	sshll.u32 s4, $0x1;
	s4 =	sadd.s32 s21, s2  }
0x9d: {  	[timem:s6], [sflag:s22] =	dma.local [hbm:s4], s20  }
0x9e: {  	_ =	swait.ge [sflag:s22], s20  }
0x9f: {  	s3 =	ssub.s32 $0x0, s20;
	[sflag:s22] =	ssyncset.done $0x0  }
0xa0: {  	[sflag:s22] =	ssyncadd.s32 s3;
	_ =	sdelay $0x1  }
0xa1: {  	s23 =	simm.s32 $0x1B8B  }
0xa2: {  	_ =	swait.ge [sflag:s23], $0x1  }
0xa3: {  	[sflag:s23] =	ssyncset.done $0x0  }
0xa4: {  	s25 =	simm.s32 $0x1B8E;
	s24 =	sld [smem:$0x3FFE];
	[sflag:s23] =	ssyncadd.s32 $0xFFFFFFFF  }
0xa5: {  	s26 =	simm.s32 $execute0_lowered;
	[smem:$0x3FD2] =	sst s25  }
0xa6: {  	s4 =	sshll.u32 s26, $0x1;
	_ =	strace $0x80000046;
	[dreg:$0x1] =	wrdreg $0xFFFFFFFF  }
0xa7: {  	s28 =	simm.s32 $_size_execute0_lowered;
	s2 =	sadd.s32 s2, s4;
	[dreg:$0x0] =	wrdreg $0x0  }
0xa8: {  	s4 =	sshll.u32 s28, $0x1;
	[dreg:$0x2] =	wrdreg s2  }
0xa9: {  	[dreg:$0x3] =	wrdreg s4  }
0xaa: {  	[dreg:$0x4] =	wrdreg $0xC0  }
0xab: {  	_ =	task [dreg:s6], $0x5FFFF  }
0xac: {  	[dreg:$0x1] =	wrdreg $0xFFFFFFFF  }
0xad: {  	[dreg:$0x0] =	wrdreg $0x60  }
0xae: {  	[dreg:$0x2] =	wrdreg s24  }
0xaf: {  	[dreg:$0x3] =	wrdreg $0x9  }
0xb0: {  	_ =	task.clear_ibuf [dreg:s6], $0x4FFFF;
	_ =	strace $0x90000046  }
0xb1: {  	s29 =	simm.s32 $0x9;
	_ =	strace $0x80000048  }
0xb2: {  	_ =	swait.ge [sflag:s29], $0x1  }
0xb3: {  	[sflag:s29] =	ssyncadd.s32 $0xFFFFFFFF  }
0xb4: {  	_ =	strace $0x90000048  }
0xb5: {  	_ =	sfence  }
0xb6: {  	s30 =	sld [smem:$0x0];
	_ =	sdelay $0x2  }
0xb7: {  	s31 =	sshll.u32 s1, $0xD;
	s1 =	sshrl.u32 s1, $0x2  }
0xb8: {  	s3 =	sand.u32 $0x4000, s31;
	s1 =	sadd.s32 s1, s30  }
0xb9: {  	s0 =	sor.u32 s3, s0;
	s1 =	sshll.u32 s1, $0x11  }
0xba: {  	s0 =	sor.u32 s1, s0  }
0xbb: {  	s0 =	sadd.s32 $0x8F2B, s0  }
0xbc: {  	[sflag:s0] =	ssyncadd.remote.s32 $0x1  }
0xbd: {  	_ =	sfence.sel $0xFFFF  }
0xbe: {  	[dreg:$0x0] =	wrdreg $0xFFFFFFFF;
	(pc) =	sbr.abs _section_cstart, $3  }
0xbf: {  	[dreg:$0x1] =	wrdreg $0xFFFFFFFF  }
0xc0: {  	_ =	task.clear_ibuf [dreg:s6], $0x2FFFF;
	_ =	strace $0x9FFFFFFF  }
0xc1: {  	(tm) =	ssettm $0x7FFFFFFF  }
tec
execute0_lowered:
.L_overlay_start_1:
0x0: {  	(tag) =	ssettag $0x1  }
0x1: {  	s3 =	rddreg [dreg:$0x0]  }
0x2: {  	s0 =	rddreg [dreg:$0x1];
	s2 =	simm.s32 $0x0;
	s4 =	srdreg.scid  }
0x3: {  	s1 =	stileid.u32;
	s11 =	simm.s32 $0x4000;
	s12 =	simm.s32 $0x2  }
0x4: {  	s13 =	simm.s32 $0x14080;
	s14 =	simm.s32 $0x4;
	s16 =	simm.s32 $0x3  }
0x5: {  	s17 =	simm.s32 $0x0;
	[smem:$0x7FF] =	sst s2;
	s5 =	sadd.s32 $0x2200, s3  }
0x6: {  	s4 =	sand.u32 $0x1, s4;
	s6 =	sshll.u32 s1, $0x1;
	s7 =	sadd.s32 $0xC200, s3  }
0x7: {  	s8 =	sshrl.u32 s1, $0x1;
	_ =	strace $0x80000047;
	s28 =	ssub.s32 $0x2, s4  }
0x8: {  	s6 =	sor.u32 s4, s6;
	s30 =	sor.u32 $0x20, s8;
	s29 =	sshrl.u32 s28, $0x1  }
0x9: {  	s9 =	sand.u32 $0x3, s6;
	s31 =	sshll.u32 s6, $0xA;
	s8 =	sshll.u32 s30, $0xD  }
0xa: {  	s4 =	sshll.u32 s30, $0xA;
	s6 =	sshll.u32 s6, $0xD;
	s10 =	ssub.s32 s28, s29  }
0xb: {  	s15 =	sshll.u32 s9, $0x6;
	s9 =	sshll.u32 s9, $0xA;
	s3 =	sadd.s32 s5, s31  }
0xc: {  	s4 =	sadd.s32 s5, s4;
	s6 =	sadd.s32 s7, s6;
	s8 =	sor.u32 s8, s9  }
0xd: {  	s9 =	simm.s32 $0x2000;
	v0 =	vmov s15;
	s15 =	simm.s32 $0x16080;
	s5 =	sadd.s32 s7, s8  }
0xe: {  	v1 =	vimm.f32 $0.0e+00;
	v2 =	vimm.f32 $1.000000000e+00;
	s8 =	smax.u32 s10, $0x1;
	s10 =	simm.s32 $0x1;
	s7 =	sadd.s32 $0x1000, s5  }
.LBB2_1:
0xf: {  	[tilespmem:s2], [sflag:$0x1] =	stream.linear.gather [hbm4b:s3+s2], $0x2000, $0x38;
	[tilespmem:$0x18400] =	vst v63  }
0x10: {  	s18 =	simm.s32 $0x0;
	s19 =	simm.s32 $0x200  }
0x11: {  	[tilespmem:s9], [sflag:$0x2] =	stream.linear.gather [hbm4b:s4+s2], $0x2000, $0x38;
	[tilespmem:$0x18400] =	vst v63  }
.LBB2_2:
0x12: {  	p0 =	sne.s32 s19, $0x3FE00;
	[tilespmem:s18+$0x4070] =	vst v1  }
0x13: {  	[tilespmem:s18+$0x4000] =	vst v1  }
0x14: {  	[tilespmem:s18+$0x4010] =	vst v1  }
.Ltmp0:
0x15: {  	[tilespmem:s18+$0x4020] =	vst v1;
	(pc) =	sbr.rel @p0 .LBB2_2-.Ltmp0, $4  }
0x16: {  	[tilespmem:s18+$0x4030] =	vst v1  }
0x17: {  	[tilespmem:s18+$0x4040] =	vst v1  }
0x18: {  	[tilespmem:s18+$0x4050] =	vst v1  }
0x19: {  	[tilespmem:s18+$0x4060] =	vst v1;
	s18 =	sshra.s32 s19, $0x2;
	s19 =	sadd.s32 $0x200, s19  }
0x1a: {  	[tilespmem:s18+$0x4070] =	vst v1  }
0x1b: {  	[tilespmem:s18+$0x4000] =	vst v1  }
0x1c: {  	[tilespmem:s18+$0x4010] =	vst v1  }
0x1d: {  	[tilespmem:s18+$0x4020] =	vst v1  }
0x1e: {  	[tilespmem:s18+$0x4030] =	vst v1  }
0x1f: {  	[tilespmem:s18+$0x4040] =	vst v1  }
0x20: {  	[tilespmem:s18+$0x4050] =	vst v1  }
0x21: {  	[tilespmem:s18+$0x4060] =	vst v1  }
0x22: {  	_ =	swait.ge [sflag:s10], $0x2000  }
0x23: {  	[sflag:s10] =	ssyncset.done $0x0  }
0x24: {  	s18 =	simm.s32 $0x100;
	[sflag:s10] =	ssyncadd.s32 $0xFFFFE000  }
.LBB2_4:
0x25: {  	s19 =	sshra.s32 s18, $0x2  }
0x26: {  	v3 =	vld [tilespmem:s19+$0xFFFFFFC0];
	_ =	sdelay $0x1  }
0x27: {  	v4 =	vld [tilespmem:s19+$0xFC0];
	_ =	sdelay $0x2  }
0x28: {  	v5 =	vshll.u32 v3, $0x1  }
0x29: {  	v5 =	vand.u32 $0x1FFFF00, v5  }
0x2a: {  	v4 =	vadd.s32 v4, v5  }
0x2b: {  	vm0 =	vlt.s32 v3, $0x100;
	v4 =	vshll.u32 v4, $0x7  }
0x2c: {  	v3 =	vand.u32 $0x7F, v3;
	v4 =	vnsel vm0, $0x10000, v4  }
0x2d: {  	v3 =	vor.u32 v3, v4;
	_ =	sdelay $0x4  }
0x2e: {  	[tilespmem:v3+s11+$0x0] =	vst.idx.add.f32.msk $0xffff, v2  }
0x2f: {  	v3 =	vld [tilespmem:s19+$0xFFFFFFD0];
	_ =	sdelay $0x1  }
0x30: {  	v50 =	vld [tilespmem:s19+$0xFD0];
	_ =	sdelay $0x2  }
0x31: {  	v51 =	vshll.u32 v3, $0x1  }
0x32: {  	v5 =	vand.u32 $0x1FFFF00, v51  }
0x33: {  	v4 =	vadd.s32 v50, v5  }
0x34: {  	vm9 =	vlt.s32 v3, $0x100;
	v4 =	vshll.u32 v4, $0x7  }
0x35: {  	v3 =	vand.u32 $0x7F, v3;
	v4 =	vnsel vm9, $0x10000, v4  }
0x36: {  	v3 =	vor.u32 v3, v4;
	_ =	sdelay $0x4  }
0x37: {  	[tilespmem:v3+s11+$0x0] =	vst.idx.add.f32.msk $0xffff, v2  }
0x38: {  	v3 =	vld [tilespmem:s19+$0xFFFFFFE0];
	_ =	sdelay $0x1  }
0x39: {  	v52 =	vld [tilespmem:s19+$0xFE0];
	_ =	sdelay $0x2  }
0x3a: {  	v53 =	vshll.u32 v3, $0x1  }
0x3b: {  	v5 =	vand.u32 $0x1FFFF00, v53  }
0x3c: {  	v4 =	vadd.s32 v52, v5  }
0x3d: {  	vm10 =	vlt.s32 v3, $0x100;
	v4 =	vshll.u32 v4, $0x7  }
0x3e: {  	v3 =	vand.u32 $0x7F, v3;
	v4 =	vnsel vm10, $0x10000, v4  }
0x3f: {  	v3 =	vor.u32 v3, v4;
	_ =	sdelay $0x4  }
0x40: {  	[tilespmem:v3+s11+$0x0] =	vst.idx.add.f32.msk $0xffff, v2  }
0x41: {  	v3 =	vld [tilespmem:s19+$0xFFFFFFF0];
	_ =	sdelay $0x1  }
0x42: {  	v54 =	vld [tilespmem:s19+$0xFF0];
	_ =	sdelay $0x2  }
0x43: {  	v55 =	vshll.u32 v3, $0x1  }
0x44: {  	v5 =	vand.u32 $0x1FFFF00, v55  }
0x45: {  	v4 =	vadd.s32 v54, v5  }
0x46: {  	vm11 =	vlt.s32 v3, $0x100;
	v4 =	vshll.u32 v4, $0x7  }
0x47: {  	v3 =	vand.u32 $0x7F, v3;
	v4 =	vnsel vm11, $0x10000, v4  }
0x48: {  	v3 =	vor.u32 v3, v4;
	_ =	sdelay $0x4  }
0x49: {  	[tilespmem:v3+s11+$0x0] =	vst.idx.add.f32.msk $0xffff, v2  }
0x4a: {  	v3 =	vld [tilespmem:s19+$0x0];
	_ =	sdelay $0x1  }
0x4b: {  	v56 =	vld [tilespmem:s19+$0x1000];
	_ =	sdelay $0x2  }
0x4c: {  	v57 =	vshll.u32 v3, $0x1  }
0x4d: {  	v5 =	vand.u32 $0x1FFFF00, v57  }
0x4e: {  	v4 =	vadd.s32 v56, v5  }
0x4f: {  	vm12 =	vlt.s32 v3, $0x100;
	v4 =	vshll.u32 v4, $0x7  }
0x50: {  	v3 =	vand.u32 $0x7F, v3;
	v4 =	vnsel vm12, $0x10000, v4  }
0x51: {  	v3 =	vor.u32 v3, v4;
	_ =	sdelay $0x4  }
0x52: {  	[tilespmem:v3+s11+$0x0] =	vst.idx.add.f32.msk $0xffff, v2  }
0x53: {  	v3 =	vld [tilespmem:s19+$0x10];
	_ =	sdelay $0x1  }
0x54: {  	v58 =	vld [tilespmem:s19+$0x1010];
	_ =	sdelay $0x2  }
0x55: {  	v59 =	vshll.u32 v3, $0x1  }
0x56: {  	v5 =	vand.u32 $0x1FFFF00, v59  }
0x57: {  	v4 =	vadd.s32 v58, v5  }
0x58: {  	vm13 =	vlt.s32 v3, $0x100;
	v4 =	vshll.u32 v4, $0x7  }
0x59: {  	v3 =	vand.u32 $0x7F, v3;
	v4 =	vnsel vm13, $0x10000, v4  }
0x5a: {  	v3 =	vor.u32 v3, v4;
	_ =	sdelay $0x4  }
0x5b: {  	[tilespmem:v3+s11+$0x0] =	vst.idx.add.f32.msk $0xffff, v2  }
0x5c: {  	v3 =	vld [tilespmem:s19+$0x20];
	_ =	sdelay $0x1  }
0x5d: {  	v60 =	vld [tilespmem:s19+$0x1020];
	_ =	sdelay $0x2  }
0x5e: {  	v61 =	vshll.u32 v3, $0x1  }
0x5f: {  	v5 =	vand.u32 $0x1FFFF00, v61  }
0x60: {  	v4 =	vadd.s32 v60, v5  }
0x61: {  	vm14 =	vlt.s32 v3, $0x100;
	v4 =	vshll.u32 v4, $0x7  }
0x62: {  	v3 =	vand.u32 $0x7F, v3;
	v4 =	vnsel vm14, $0x10000, v4  }
0x63: {  	v3 =	vor.u32 v3, v4;
	_ =	sdelay $0x4  }
0x64: {  	[tilespmem:v3+s11+$0x0] =	vst.idx.add.f32.msk $0xffff, v2  }
0x65: {  	v3 =	vld [tilespmem:s19+$0x30];
	_ =	sdelay $0x1  }
0x66: {  	v62 =	vld [tilespmem:s19+$0x1030];
	_ =	sdelay $0x2  }
0x67: {  	v63 =	vshll.u32 v3, $0x1  }
0x68: {  	v5 =	vand.u32 $0x1FFFF00, v63  }
0x69: {  	v4 =	vadd.s32 v62, v5  }
0x6a: {  	vm15 =	vlt.s32 v3, $0x100;
	v4 =	vshll.u32 v4, $0x7  }
0x6b: {  	v3 =	vand.u32 $0x7F, v3;
	v4 =	vnsel vm15, $0x10000, v4  }
0x6c: {  	p0 =	sne.s32 s18, $0x3F00;
	v3 =	vor.u32 v3, v4  }
.Ltmp1:
0x6d: {  	_ = 	snop;
	(pc) =	sbr.rel @p0 .LBB2_4-.Ltmp1, $2  }
0x6e: {  	_ =	sdelay $0x2  }
0x6f: {  	s18 =	sadd.s32 $0x200, s18;
	[tilespmem:v3+s11+$0x0] =	vst.idx.add.f32.msk $0xffff, v2  }
0x70: {  	s18 =	simm.s32 $0x0  }
0x71: {  	[hbm4b:s6+s18] =	stream.linear.scatter [tilespmem:s11], [sflag:$0x3], $0x10000, $0x38;
	[tilespmem:$0x18400] =	vst v63  }
0x72: {  	s19 =	simm.s32 $0x200;
	s18 =	simm.s32 $0x0  }
.LBB2_6:
0x73: {  	p0 =	sne.s32 s19, $0xFE00;
	[tilespmem:s18+$0x140F0] =	vst v1  }
0x74: {  	[tilespmem:s18+$0x14080] =	vst v1  }
0x75: {  	[tilespmem:s18+$0x14090] =	vst v1  }
.Ltmp2:
0x76: {  	[tilespmem:s18+$0x140A0] =	vst v1;
	(pc) =	sbr.rel @p0 .LBB2_6-.Ltmp2, $4  }
0x77: {  	[tilespmem:s18+$0x140B0] =	vst v1  }
0x78: {  	[tilespmem:s18+$0x140C0] =	vst v1  }
0x79: {  	[tilespmem:s18+$0x140D0] =	vst v1  }
0x7a: {  	[tilespmem:s18+$0x140E0] =	vst v1;
	s18 =	sshra.s32 s19, $0x2;
	s19 =	sadd.s32 $0x200, s19  }
0x7b: {  	[tilespmem:s18+$0x140F0] =	vst v1  }
0x7c: {  	[tilespmem:s18+$0x14080] =	vst v1  }
0x7d: {  	[tilespmem:s18+$0x14090] =	vst v1  }
0x7e: {  	[tilespmem:s18+$0x140A0] =	vst v1  }
0x7f: {  	[tilespmem:s18+$0x140B0] =	vst v1  }
0x80: {  	[tilespmem:s18+$0x140C0] =	vst v1  }
0x81: {  	[tilespmem:s18+$0x140D0] =	vst v1  }
0x82: {  	[tilespmem:s18+$0x140E0] =	vst v1  }
0x83: {  	_ =	swait.ge [sflag:s12], $0x2000  }
0x84: {  	[sflag:s12] =	ssyncset.done $0x0  }
0x85: {  	s18 =	simm.s32 $0x100;
	[sflag:s12] =	ssyncadd.s32 $0xFFFFE000  }
.LBB2_8:
0x86: {  	s19 =	sshra.s32 s18, $0x2  }
0x87: {  	v3 =	vld [tilespmem:s19+$0x1FC0]  }
0x88: {  	v4 =	vld [tilespmem:s19+$0x2FC0];
	_ =	sdelay $0x3  }
0x89: {  	v5 =	vshrl.u32 v3, $0x1  }
0x8a: {  	v4 =	vsub.s32 v4, v0;
	v5 =	vand.u32 $0x1FFFFC0, v5  }
0x8b: {  	v5 =	vadd.s32 v5, v4  }
0x8c: {  	v5 =	vadd.s32 $0x201, v5  }
0x8d: {  	vm0 =	vlt.u32 v4, $0x40;
	v42 =	vshll.u32 v5, $0x7  }
0x8e: {  	v3 =	vand.u32 $0x7F, v3;
	v4 =	vnsel vm0, $0x10000, v42  }
0x8f: {  	v3 =	vor.u32 v3, v4;
	_ =	sdelay $0x4  }
0x90: {  	[tilespmem:v3+s11+$0x0] =	vst.idx.add.f32.msk $0xffff, v2  }
0x91: {  	v3 =	vld [tilespmem:s19+$0x1FD0]  }
0x92: {  	v43 =	vld [tilespmem:s19+$0x2FD0];
	_ =	sdelay $0x3  }
0x93: {  	v44 =	vshrl.u32 v3, $0x1  }
0x94: {  	v4 =	vsub.s32 v43, v0;
	v5 =	vand.u32 $0x1FFFFC0, v44  }
0x95: {  	v5 =	vadd.s32 v5, v4  }
0x96: {  	v5 =	vshll.u32 v5, $0x7  }
0x97: {  	vm9 =	vlt.u32 v4, $0x40;
	v45 =	vadd.s32 $0x10080, v5  }
0x98: {  	v3 =	vand.u32 $0x7F, v3;
	v4 =	vnsel vm9, $0x10000, v45  }
0x99: {  	v3 =	vor.u32 v3, v4;
	_ =	sdelay $0x4  }
0x9a: {  	[tilespmem:v3+s11+$0x0] =	vst.idx.add.f32.msk $0xffff, v2  }
0x9b: {  	v3 =	vld [tilespmem:s19+$0x1FE0]  }
0x9c: {  	v46 =	vld [tilespmem:s19+$0x2FE0];
	_ =	sdelay $0x3  }
0x9d: {  	v47 =	vshrl.u32 v3, $0x1  }
0x9e: {  	v4 =	vsub.s32 v46, v0;
	v5 =	vand.u32 $0x1FFFFC0, v47  }
0x9f: {  	v5 =	vadd.s32 v5, v4  }
0xa0: {  	v5 =	vshll.u32 v5, $0x7  }
0xa1: {  	vm10 =	vlt.u32 v4, $0x40;
	v48 =	vadd.s32 $0x10080, v5  }
0xa2: {  	v3 =	vand.u32 $0x7F, v3;
	v4 =	vnsel vm10, $0x10000, v48  }
0xa3: {  	v3 =	vor.u32 v3, v4;
	_ =	sdelay $0x4  }
0xa4: {  	[tilespmem:v3+s11+$0x0] =	vst.idx.add.f32.msk $0xffff, v2  }
0xa5: {  	v3 =	vld [tilespmem:s19+$0x1FF0]  }
0xa6: {  	v49 =	vld [tilespmem:s19+$0x2FF0];
	_ =	sdelay $0x3  }
0xa7: {  	v50 =	vshrl.u32 v3, $0x1  }
0xa8: {  	v4 =	vsub.s32 v49, v0;
	v5 =	vand.u32 $0x1FFFFC0, v50  }
0xa9: {  	v5 =	vadd.s32 v5, v4  }
0xaa: {  	v5 =	vshll.u32 v5, $0x7  }
0xab: {  	vm11 =	vlt.u32 v4, $0x40;
	v51 =	vadd.s32 $0x10080, v5  }
0xac: {  	v3 =	vand.u32 $0x7F, v3;
	v4 =	vnsel vm11, $0x10000, v51  }
0xad: {  	v3 =	vor.u32 v3, v4;
	_ =	sdelay $0x4  }
0xae: {  	[tilespmem:v3+s11+$0x0] =	vst.idx.add.f32.msk $0xffff, v2  }
0xaf: {  	v3 =	vld [tilespmem:s19+$0x2000]  }
0xb0: {  	v52 =	vld [tilespmem:s19+$0x3000];
	_ =	sdelay $0x3  }
0xb1: {  	v53 =	vshrl.u32 v3, $0x1  }
0xb2: {  	v4 =	vsub.s32 v52, v0;
	v5 =	vand.u32 $0x1FFFFC0, v53  }
0xb3: {  	v5 =	vadd.s32 v5, v4  }
0xb4: {  	v5 =	vshll.u32 v5, $0x7  }
0xb5: {  	vm12 =	vlt.u32 v4, $0x40;
	v54 =	vadd.s32 $0x10080, v5  }
0xb6: {  	v3 =	vand.u32 $0x7F, v3;
	v4 =	vnsel vm12, $0x10000, v54  }
0xb7: {  	v3 =	vor.u32 v3, v4;
	_ =	sdelay $0x4  }
0xb8: {  	[tilespmem:v3+s11+$0x0] =	vst.idx.add.f32.msk $0xffff, v2  }
0xb9: {  	v3 =	vld [tilespmem:s19+$0x2010]  }
0xba: {  	v55 =	vld [tilespmem:s19+$0x3010];
	_ =	sdelay $0x3  }
0xbb: {  	v56 =	vshrl.u32 v3, $0x1  }
0xbc: {  	v4 =	vsub.s32 v55, v0;
	v5 =	vand.u32 $0x1FFFFC0, v56  }
0xbd: {  	v5 =	vadd.s32 v5, v4  }
0xbe: {  	v5 =	vshll.u32 v5, $0x7  }
0xbf: {  	vm13 =	vlt.u32 v4, $0x40;
	v57 =	vadd.s32 $0x10080, v5  }
0xc0: {  	v3 =	vand.u32 $0x7F, v3;
	v4 =	vnsel vm13, $0x10000, v57  }
0xc1: {  	v3 =	vor.u32 v3, v4;
	_ =	sdelay $0x4  }
0xc2: {  	[tilespmem:v3+s11+$0x0] =	vst.idx.add.f32.msk $0xffff, v2  }
0xc3: {  	v3 =	vld [tilespmem:s19+$0x2020]  }
0xc4: {  	v58 =	vld [tilespmem:s19+$0x3020];
	_ =	sdelay $0x3  }
0xc5: {  	v59 =	vshrl.u32 v3, $0x1  }
0xc6: {  	v4 =	vsub.s32 v58, v0;
	v5 =	vand.u32 $0x1FFFFC0, v59  }
0xc7: {  	v5 =	vadd.s32 v5, v4  }
0xc8: {  	v5 =	vshll.u32 v5, $0x7  }
0xc9: {  	vm14 =	vlt.u32 v4, $0x40;
	v60 =	vadd.s32 $0x10080, v5  }
0xca: {  	v3 =	vand.u32 $0x7F, v3;
	v4 =	vnsel vm14, $0x10000, v60  }
0xcb: {  	v3 =	vor.u32 v3, v4;
	_ =	sdelay $0x4  }
0xcc: {  	[tilespmem:v3+s11+$0x0] =	vst.idx.add.f32.msk $0xffff, v2  }
0xcd: {  	v3 =	vld [tilespmem:s19+$0x2030]  }
0xce: {  	v61 =	vld [tilespmem:s19+$0x3030];
	_ =	sdelay $0x3  }
0xcf: {  	v62 =	vshrl.u32 v3, $0x1  }
0xd0: {  	v4 =	vsub.s32 v61, v0;
	v5 =	vand.u32 $0x1FFFFC0, v62  }
0xd1: {  	v5 =	vadd.s32 v5, v4  }
0xd2: {  	v5 =	vshll.u32 v5, $0x7  }
0xd3: {  	vm15 =	vlt.u32 v4, $0x40;
	v63 =	vadd.s32 $0x10080, v5  }
0xd4: {  	v3 =	vand.u32 $0x7F, v3;
	v4 =	vnsel vm15, $0x10000, v63  }
0xd5: {  	p0 =	sne.s32 s18, $0x3F00;
	v3 =	vor.u32 v3, v4  }
.Ltmp3:
0xd6: {  	_ = 	snop;
	(pc) =	sbr.rel @p0 .LBB2_8-.Ltmp3, $2  }
0xd7: {  	_ =	sdelay $0x2  }
0xd8: {  	s18 =	sadd.s32 $0x200, s18;
	[tilespmem:v3+s11+$0x0] =	vst.idx.add.f32.msk $0xffff, v2  }
0xd9: {  	[hbm4b:s5+s2] =	stream.linear.scatter [tilespmem:s13], [sflag:$0x4], $0x2000, $0x38;
	[tilespmem:$0x18400] =	vst v63  }
0xda: {  	_ =	swait.ge [sflag:s14], $0x2000  }
0xdb: {  	[sflag:s14] =	ssyncset.done $0x0  }
0xdc: {  	s17 =	sadd.s32 $0x1, s17;
	[sflag:s14] =	ssyncadd.s32 $0xFFFFE000  }
0xdd: {  	[hbm4b:s7+s2] =	stream.linear.scatter [tilespmem:s15], [sflag:$0x4], $0x2000, $0x38;
	[tilespmem:$0x18400] =	vst v63  }
0xde: {  	p0 =	sne.s32 s17, s8;
	_ =	swait.ge [sflag:s14], $0x2000  }
.Ltmp4:
0xdf: {  	[sflag:s14] =	ssyncset.done $0x0;
	(pc) =	sbr.rel @p0 .LBB2_1-.Ltmp4, $4  }
0xe0: {  	[sflag:s14] =	ssyncadd.s32 $0xFFFFE000  }
0xe1: {  	_ =	swait.ge [sflag:s16], $0x10000  }
0xe2: {  	[sflag:s16] =	ssyncset.done $0x0  }
0xe3: {  	[sflag:s16] =	ssyncadd.s32 $0xFFFF0000  }
0xe4: {  	_ =	sfence.sel $0x180000  }
0xe5: {  	[bflag:$0x0] =	sbarrier.arrive $0xFFFF  }
0xe6: {  	p0 =	sne.s32 s1, $0x0;
	_ =	strace $0x90000047  }
0xe7: {  	s0 =	sadd.s32 @!p0 $0x100000, s0;
	[bflag:$0x2] =	sbarrier.arrive $0xFFFF  }
0xe8: {  	[sflag:s0] =	ssyncadd.tile.s32 @!p0 $0x1;
	_ =	shalt  }
.Lfunc_end2:
_tile_overlayer_lowered:
.L_overlay_start_2:
0xe9: {  	(tag) =	ssettag $0x2  }
0xea: {  	s0 =	rddreg [dreg:$0x0];
	s2 =	stileid.u32  }
0xeb: {  	s1 =	rddreg [dreg:$0x1];
	p0 =	sne.s32 s2, $0x0  }
0xec: {  	s3 =	rddreg [dreg:$0x2];
	[bflag:$0x3] =	sbarrier.arrive $0xFFFF;
	s2 =	simm.s32 @!p0 $0x1C04  }
0xed: {  	[timem:s3], [sflag:s2] =	dma.local @!p0 [hbm:s0], s1  }
0xee: {  	s0 =	simm.s32 @!p0 $0x4  }
0xef: {  	_ =	swait.ge @!p0 [sflag:s0], s1  }
0xf0: {  	s1 =	ssub.s32 @!p0 $0x0, s1;
	[sflag:s0] =	ssyncset.done @!p0 $0x0  }
0xf1: {  	[sflag:s0] =	ssyncadd.s32 @!p0 s1  }
0xf2: {  	[bflag:$0x3] =	sbarrier.arrive $0xFFFF  }
0xf3: {  	_ =	shalt  }

</sc_bundles>
